<compile_context>
chip_gen: v7x
topology: tpu7x:2x2x1
jax: 0.10.2.dev20260603
libtpu: 0.0.44.dev20260713+nightly
codegen_flags: <defaults>
</compile_context>

<pallas_src>
import jax
import jax.numpy as jnp
from jax import lax
from jax.experimental import pallas as pl
from jax.experimental.pallas import tpu as pltpu
from jax.experimental.pallas import tpu_sc as plsc

N = 10000
NP = 10240
E = 320000
D = 128
NC = 2
NS = 16
NW = NC * NS
K = 128
NCH = 80
HCH = 40
EPW = NCH * K
EP = NW * EPW
RPT = NP // NS
ZC = 128
BR = 640
BRO = 400


def _sc_mesh():
    return plsc.VectorSubcoreMesh(
        core_axis_name="c", subcore_axis_name="s", num_cores=NC, num_subcores=NS
    )


def _deg_body(dst_hbm, ones_hbm, z16_hbm, out_hbm, didx, ones_v, dacc, sem):
    c = lax.axis_index("c")
    s = lax.axis_index("s")
    wid = s * NC + c
    row0 = s * RPT
    for j in range(5):
        pltpu.async_copy(z16_hbm, dacc.at[pl.ds(row0 + j * ZC, ZC)], sem).wait()
    pltpu.async_copy(ones_hbm, ones_v, sem).wait()
    pltpu.async_copy(dst_hbm.at[wid], didx, sem).wait()
    plsc.subcore_barrier()

    def chunk(ci, carry):
        pltpu.sync_copy(ones_v, dacc.at[didx.at[ci]], add=True)
        return carry

    lax.fori_loop(0, NCH, chunk, 0)
    plsc.subcore_barrier()
    pltpu.async_copy(dacc.at[pl.ds(row0, RPT)],
                     out_hbm.at[c].at[pl.ds(row0, RPT)], sem).wait()


def _degree(dst_r):
    ones = jnp.ones((K, 16), jnp.float32)
    z16 = jnp.zeros((ZC, 16), jnp.float32)
    run = pl.kernel(
        _deg_body,
        out_type=jax.ShapeDtypeStruct((NC, NP, 16), jnp.float32),
        mesh=_sc_mesh(),
        scratch_types=[
            pltpu.VMEM((NCH, K), jnp.int32),
            pltpu.VMEM((K, 16), jnp.float32),
            pltpu.VMEM_SHARED((NP, 16), jnp.float32),
            pltpu.SemaphoreType.DMA,
        ],
        compiler_params=pltpu.CompilerParams(use_tc_tiling_on_sc=False),
    )
    return run(dst_r, ones, z16)


def _agg_body(y_hbm, src_hbm, dst_hbm, z128_hbm, out_hbm,
              sidx, didx, rows0, rows1, acc, gsem, ssem):
    c = lax.axis_index("c")
    s = lax.axis_index("s")
    wid = s * NC + c
    row0 = s * RPT
    for j in range(5):
        pltpu.async_copy(z128_hbm, acc.at[pl.ds(row0 + j * ZC, ZC)], gsem).wait()
    plsc.subcore_barrier()

    def gather(ci, buf):
        pltpu.async_copy(y_hbm.at[sidx.at[ci]], buf, gsem)

    def wait_g():
        pltpu.make_async_copy(y_hbm.at[pl.ds(0, K)], rows0, gsem).wait()

    for h in range(NCH // HCH):
        pltpu.async_copy(src_hbm.at[wid].at[pl.ds(h * HCH, HCH)], sidx,
                         gsem).wait()
        pltpu.async_copy(dst_hbm.at[wid].at[pl.ds(h * HCH, HCH)], didx,
                         gsem).wait()
        gather(0, rows0)

        def pair(t, carry):
            a = 2 * t
            b = a + 1
            wait_g()
            gather(b, rows1)
            pltpu.sync_copy(rows0, acc.at[didx.at[a]], add=True)
            wait_g()

            @pl.when(b + 1 < HCH)
            def _():
                gather(b + 1, rows0)

            pltpu.sync_copy(rows1, acc.at[didx.at[b]], add=True)
            return carry

        lax.fori_loop(0, HCH // 2, pair, 0)
    plsc.subcore_barrier()
    pltpu.async_copy(acc.at[pl.ds(row0, RPT)],
                     out_hbm.at[c].at[pl.ds(row0, RPT)], gsem).wait()


def _aggregate(y, src_r, dst_r):
    z128 = jnp.zeros((ZC, D), jnp.float32)
    run = pl.kernel(
        _agg_body,
        out_type=jax.ShapeDtypeStruct((NC, NP, D), jnp.float32),
        mesh=_sc_mesh(),
        scratch_types=[
            pltpu.VMEM((HCH, K), jnp.int32),
            pltpu.VMEM((HCH, K), jnp.int32),
            pltpu.VMEM((K, D), jnp.float32),
            pltpu.VMEM((K, D), jnp.float32),
            pltpu.VMEM_SHARED((NP, D), jnp.float32),
            pltpu.SemaphoreType.DMA,
            pltpu.SemaphoreType.DMA,
        ],
    )
    return run(y, src_r, dst_r, z128)


def _mm1_body(h_ref, w_ref, pdeg_ref, xw_ref, y_ref, degt_ref):
    degt = pdeg_ref[0] + pdeg_ref[1] + 1.0
    dinv = lax.rsqrt(degt[:, 0:1])
    xw = jnp.dot(h_ref[...], w_ref[...], preferred_element_type=jnp.float32)
    xw_ref[...] = xw
    y_ref[...] = xw * dinv
    degt_ref[...] = degt


def _matmul_scale1(h, w, pdeg):
    return pl.pallas_call(
        _mm1_body,
        grid=(NP // BR,),
        in_specs=[
            pl.BlockSpec((BR, D), lambda i: (i, 0)),
            pl.BlockSpec((D, D), lambda i: (0, 0)),
            pl.BlockSpec((NC, BR, 16), lambda i: (0, i, 0)),
        ],
        out_specs=[
            pl.BlockSpec((BR, D), lambda i: (i, 0)),
            pl.BlockSpec((BR, D), lambda i: (i, 0)),
            pl.BlockSpec((BR, 16), lambda i: (i, 0)),
        ],
        out_shape=[
            jax.ShapeDtypeStruct((NP, D), jnp.float32),
            jax.ShapeDtypeStruct((NP, D), jnp.float32),
            jax.ShapeDtypeStruct((NP, 16), jnp.float32),
        ],
    )(h, w, pdeg)


def _combmm_body(pagg_ref, xw_ref, degt_ref, b_ref, w2_ref,
                 h_ref, xw2_ref, y2_ref):
    deg = degt_ref[:, 0:1]
    dinv = lax.rsqrt(deg)
    z = (pagg_ref[0] + pagg_ref[1]) * dinv + xw_ref[...] / deg + b_ref[...]
    h = jnp.where(z > 0, z, jnp.exp(jnp.minimum(z, 0.0)) - 1.0)
    h_ref[...] = h
    xw2 = jnp.dot(h, w2_ref[...], preferred_element_type=jnp.float32)
    xw2_ref[...] = xw2
    y2_ref[...] = xw2 * dinv


def _combine_matmul2(pagg, xw, degt, b, w2):
    return pl.pallas_call(
        _combmm_body,
        grid=(NP // BR,),
        in_specs=[
            pl.BlockSpec((NC, BR, D), lambda i: (0, i, 0)),
            pl.BlockSpec((BR, D), lambda i: (i, 0)),
            pl.BlockSpec((BR, 16), lambda i: (i, 0)),
            pl.BlockSpec((1, D), lambda i: (0, 0)),
            pl.BlockSpec((D, D), lambda i: (0, 0)),
        ],
        out_specs=[
            pl.BlockSpec((BR, D), lambda i: (i, 0)),
            pl.BlockSpec((BR, D), lambda i: (i, 0)),
            pl.BlockSpec((BR, D), lambda i: (i, 0)),
        ],
        out_shape=[
            jax.ShapeDtypeStruct((NP, D), jnp.float32),
            jax.ShapeDtypeStruct((NP, D), jnp.float32),
            jax.ShapeDtypeStruct((NP, D), jnp.float32),
        ],
    )(pagg, xw, degt, b, w2)


def _comb2_body(pagg_ref, xw_ref, degt_ref, b_ref, h1_ref, out_ref):
    deg = degt_ref[:, 0:1]
    dinv = lax.rsqrt(deg)
    z = (pagg_ref[0] + pagg_ref[1]) * dinv + xw_ref[...] / deg + b_ref[...]
    h2 = jnp.where(z > 0, z, jnp.exp(jnp.minimum(z, 0.0)) - 1.0)
    out_ref[:, 0:D] = h1_ref[...]
    out_ref[:, D:2 * D] = h2


def _combine2(pagg, xw, degt, b, h1):
    return pl.pallas_call(
        _comb2_body,
        grid=(N // BRO,),
        in_specs=[
            pl.BlockSpec((NC, BRO, D), lambda i: (0, i, 0)),
            pl.BlockSpec((BRO, D), lambda i: (i, 0)),
            pl.BlockSpec((BRO, 16), lambda i: (i, 0)),
            pl.BlockSpec((1, D), lambda i: (0, 0)),
            pl.BlockSpec((BRO, D), lambda i: (i, 0)),
        ],
        out_specs=pl.BlockSpec((BRO, 2 * D), lambda i: (i, 0)),
        out_shape=jax.ShapeDtypeStruct((N, 2 * D), jnp.float32),
    )(pagg, xw, degt, b, h1)


def kernel(x, edge_index, W1, b1, W2, b2):
    src = edge_index[0].astype(jnp.int32)
    dst = edge_index[1].astype(jnp.int32)
    padidx = N + (jnp.arange(EP - E, dtype=jnp.int32) % (NP - N))
    src_r = jnp.concatenate([src, padidx]).reshape(NW, NCH, K)
    dst_r = jnp.concatenate([dst, padidx]).reshape(NW, NCH, K)
    xp = jnp.pad(x, ((0, NP - N), (0, 0)))

    pdeg = _degree(dst_r)

    xw1, y1, degt = _matmul_scale1(xp, W1, pdeg)
    pagg1 = _aggregate(y1, src_r, dst_r)
    h1, xw2, y2 = _combine_matmul2(pagg1, xw1, degt, b1.reshape(1, D), W2)

    pagg2 = _aggregate(y2, src_r, dst_r)
    return _combine2(pagg2, xw2, degt, b2.reshape(1, D), h1)

# --- scband reference (transcript-rebuilt; emitter-appended) ---
"""Pipeline reference for scband-gnn-modules-concat-28879360098865 (READ-ONLY COPY).

The authoritative reference and input builder live on the scoring server;
editing this copy changes nothing except your own understanding.
"""

import jax, jax.numpy as jnp
import numpy as np

N_NODES = 10000
N_EDGES = 320000
D_IN = 128
D_HID = 128


def gcn_conv(x, src, dst, W, b, num_nodes):
    # PyG GCNConv with add_self_loops=True, normalize=True (eval mode)
    loop = jnp.arange(num_nodes, dtype=src.dtype)
    s = jnp.concatenate([src, loop])
    d = jnp.concatenate([dst, loop])
    ew = jnp.ones(s.shape[0], dtype=x.dtype)
    deg = jnp.zeros((num_nodes,), dtype=x.dtype).at[d].add(ew)
    dinv = jnp.where(deg > 0, 1.0 / jnp.sqrt(deg), 0.0)
    norm = dinv[s] * dinv[d]
    xw = x @ W
    msg = xw[s] * norm[:, None]
    out = jnp.zeros((num_nodes, W.shape[1]), dtype=x.dtype).at[d].add(msg)
    return out + b


def setup_inputs(seed: int = 0) -> dict:
    key = jax.random.key(seed)
    k_x, k_e, k_w1, k_w2 = jax.random.split(key, 4)
    x = jax.random.normal(k_x, (N_NODES, D_IN), dtype=jnp.float32)
    edge_index = jax.random.randint(k_e, (2, N_EDGES), 0, N_NODES, dtype=jnp.int64)
    lim1 = 1.0 / np.sqrt(D_IN)
    W1 = jax.random.uniform(k_w1, (D_IN, D_HID), dtype=jnp.float32, minval=-lim1, maxval=lim1)
    b1 = jnp.zeros((D_HID,), dtype=jnp.float32)
    lim2 = 1.0 / np.sqrt(D_HID)
    W2 = jax.random.uniform(k_w2, (D_HID, D_HID), dtype=jnp.float32, minval=-lim2, maxval=lim2)
    b2 = jnp.zeros((D_HID,), dtype=jnp.float32)
    return {"x": x, "edge_index": edge_index, "W1": W1, "b1": b1, "W2": W2, "b2": b2}


def reference(x, edge_index, W1, b1, W2, b2):
    src = edge_index[0]
    dst = edge_index[1]
    # layer 1: GCNConv -> ELU -> dropout(eval: identity)
    h1 = gcn_conv(x, src, dst, W1, b1, N_NODES)
    h1 = jax.nn.elu(h1)
    # layer 2
    h2 = gcn_conv(h1, src, dst, W2, b2, N_NODES)
    h2 = jax.nn.elu(h2)
    return jnp.concatenate([h1, h2], axis=1)

if __name__ == "__main__":
    import jax
    _d = setup_inputs()
    print(jax.jit(kernel)(*tuple(_d.values())))

</pallas_src>

<mosaic_0001>
#map = affine_map<(d0, d1) -> (0, 0)>
#map1 = affine_map<(d0, d1) -> (0, 0, 0)>
module attributes {stable_mosaic.version = 14 : i64} {
  func.func @_agg_body(%arg0: i32, %arg1: i32, %arg2: memref<10240x128xf32, #tpu.memory_space<hbm>>, %arg3: memref<32x80x128xi32, #tpu.memory_space<hbm>>, %arg4: memref<32x80x128xi32, #tpu.memory_space<hbm>>, %arg5: memref<128x128xf32, #tpu.memory_space<hbm>>, %arg6: memref<2x10240x128xf32, #tpu.memory_space<hbm>>, %arg7: memref<40x128xi32, #tpu.memory_space<vmem>>, %arg8: memref<40x128xi32, #tpu.memory_space<vmem>>, %arg9: memref<128x128xf32, #tpu.memory_space<vmem>>, %arg10: memref<128x128xf32, #tpu.memory_space<vmem>>, %arg11: memref<10240x128xf32, #tpu.memory_space<vmem_shared>>, %arg12: memref<!tpu.dma_semaphore, #tpu.memory_space<semaphore_mem>>, %arg13: memref<!tpu.dma_semaphore, #tpu.memory_space<semaphore_mem>>) attributes {dimension_semantics = [#tpu.dimension_semantics<core_parallel>, #tpu.dimension_semantics<subcore_parallel>], iteration_bounds = array<i64: 2, 16>, scalar_prefetch = 0 : i64, scratch_operands = 7 : i64, tpu.core_type = #tpu.core_type<sc_vector_subcore>, window_params = [{transform_indices = #map}, {transform_indices = #map1}, {transform_indices = #map1}, {transform_indices = #map}, {transform_indices = #map1}]} {
    %mul3A = arith.constant 2 : i32
    %mul3A_0 = arith.muli %arg1, %mul3A : i32
    %add3A = arith.addi %mul3A_0, %arg0 : i32
    %mul3A_1 = arith.constant 640 : i32
    %mul3A_2 = arith.muli %arg1, %mul3A_1 : i32
    %add3A_3 = arith.constant 0 : i32
    %add3A_4 = arith.addi %mul3A_2, %add3A_3 : i32
    %dma_start3A = arith.constant 0 : i32
    %dma_start3A_5 = tpu.memref_slice %arg11[%add3A_4, %dma_start3A] : memref<10240x128xf32, #tpu.memory_space<vmem_shared>> -> memref<128x128xf32, #tpu.memory_space<vmem_shared>>
    tpu.enqueue_dma source(%arg5 : memref<128x128xf32, #tpu.memory_space<hbm>>) target(%dma_start3A_5 : memref<128x128xf32, #tpu.memory_space<vmem_shared>>) target_semaphore(%arg12 : memref<!tpu.dma_semaphore, #tpu.memory_space<semaphore_mem>>)
    %dma_wait3A = arith.constant 0 : i32
    %dma_wait3A_6 = tpu.memref_slice %arg11[%add3A_4, %dma_wait3A] : memref<10240x128xf32, #tpu.memory_space<vmem_shared>> -> memref<128x128xf32, #tpu.memory_space<vmem_shared>>
    tpu.wait_dma2 semaphore(%arg12 : memref<!tpu.dma_semaphore, #tpu.memory_space<semaphore_mem>>) src(%arg5 : memref<128x128xf32, #tpu.memory_space<hbm>>) dst(%dma_wait3A_6 : memref<128x128xf32, #tpu.memory_space<vmem_shared>>)
    %add3A_7 = arith.constant 128 : i32
    %add3A_8 = arith.addi %mul3A_2, %add3A_7 : i32
    %dma_start3A_9 = arith.constant 0 : i32
    %dma_start3A_10 = tpu.memref_slice %arg11[%add3A_8, %dma_start3A_9] : memref<10240x128xf32, #tpu.memory_space<vmem_shared>> -> memref<128x128xf32, #tpu.memory_space<vmem_shared>>
    tpu.enqueue_dma source(%arg5 : memref<128x128xf32, #tpu.memory_space<hbm>>) target(%dma_start3A_10 : memref<128x128xf32, #tpu.memory_space<vmem_shared>>) target_semaphore(%arg12 : memref<!tpu.dma_semaphore, #tpu.memory_space<semaphore_mem>>)
    %dma_wait3A_11 = arith.constant 0 : i32
    %dma_wait3A_12 = tpu.memref_slice %arg11[%add3A_8, %dma_wait3A_11] : memref<10240x128xf32, #tpu.memory_space<vmem_shared>> -> memref<128x128xf32, #tpu.memory_space<vmem_shared>>
    tpu.wait_dma2 semaphore(%arg12 : memref<!tpu.dma_semaphore, #tpu.memory_space<semaphore_mem>>) src(%arg5 : memref<128x128xf32, #tpu.memory_space<hbm>>) dst(%dma_wait3A_12 : memref<128x128xf32, #tpu.memory_space<vmem_shared>>)
    %add3A_13 = arith.constant 256 : i32
    %add3A_14 = arith.addi %mul3A_2, %add3A_13 : i32
    %dma_start3A_15 = arith.constant 0 : i32
    %dma_start3A_16 = tpu.memref_slice %arg11[%add3A_14, %dma_start3A_15] : memref<10240x128xf32, #tpu.memory_space<vmem_shared>> -> memref<128x128xf32, #tpu.memory_space<vmem_shared>>
    tpu.enqueue_dma source(%arg5 : memref<128x128xf32, #tpu.memory_space<hbm>>) target(%dma_start3A_16 : memref<128x128xf32, #tpu.memory_space<vmem_shared>>) target_semaphore(%arg12 : memref<!tpu.dma_semaphore, #tpu.memory_space<semaphore_mem>>)
    %dma_wait3A_17 = arith.constant 0 : i32
    %dma_wait3A_18 = tpu.memref_slice %arg11[%add3A_14, %dma_wait3A_17] : memref<10240x128xf32, #tpu.memory_space<vmem_shared>> -> memref<128x128xf32, #tpu.memory_space<vmem_shared>>
    tpu.wait_dma2 semaphore(%arg12 : memref<!tpu.dma_semaphore, #tpu.memory_space<semaphore_mem>>) src(%arg5 : memref<128x128xf32, #tpu.memory_space<hbm>>) dst(%dma_wait3A_18 : memref<128x128xf32, #tpu.memory_space<vmem_shared>>)
    %add3A_19 = arith.constant 384 : i32
    %add3A_20 = arith.addi %mul3A_2, %add3A_19 : i32
    %dma_start3A_21 = arith.constant 0 : i32
    %dma_start3A_22 = tpu.memref_slice %arg11[%add3A_20, %dma_start3A_21] : memref<10240x128xf32, #tpu.memory_space<vmem_shared>> -> memref<128x128xf32, #tpu.memory_space<vmem_shared>>
    tpu.enqueue_dma source(%arg5 : memref<128x128xf32, #tpu.memory_space<hbm>>) target(%dma_start3A_22 : memref<128x128xf32, #tpu.memory_space<vmem_shared>>) target_semaphore(%arg12 : memref<!tpu.dma_semaphore, #tpu.memory_space<semaphore_mem>>)
    %dma_wait3A_23 = arith.constant 0 : i32
    %dma_wait3A_24 = tpu.memref_slice %arg11[%add3A_20, %dma_wait3A_23] : memref<10240x128xf32, #tpu.memory_space<vmem_shared>> -> memref<128x128xf32, #tpu.memory_space<vmem_shared>>
    tpu.wait_dma2 semaphore(%arg12 : memref<!tpu.dma_semaphore, #tpu.memory_space<semaphore_mem>>) src(%arg5 : memref<128x128xf32, #tpu.memory_space<hbm>>) dst(%dma_wait3A_24 : memref<128x128xf32, #tpu.memory_space<vmem_shared>>)
    %add3A_25 = arith.constant 512 : i32
    %add3A_26 = arith.addi %mul3A_2, %add3A_25 : i32
    %dma_start3A_27 = arith.constant 0 : i32
    %dma_start3A_28 = tpu.memref_slice %arg11[%add3A_26, %dma_start3A_27] : memref<10240x128xf32, #tpu.memory_space<vmem_shared>> -> memref<128x128xf32, #tpu.memory_space<vmem_shared>>
    tpu.enqueue_dma source(%arg5 : memref<128x128xf32, #tpu.memory_space<hbm>>) target(%dma_start3A_28 : memref<128x128xf32, #tpu.memory_space<vmem_shared>>) target_semaphore(%arg12 : memref<!tpu.dma_semaphore, #tpu.memory_space<semaphore_mem>>)
    %dma_wait3A_29 = arith.constant 0 : i32
    %dma_wait3A_30 = tpu.memref_slice %arg11[%add3A_26, %dma_wait3A_29] : memref<10240x128xf32, #tpu.memory_space<vmem_shared>> -> memref<128x128xf32, #tpu.memory_space<vmem_shared>>
    tpu.wait_dma2 semaphore(%arg12 : memref<!tpu.dma_semaphore, #tpu.memory_space<semaphore_mem>>) src(%arg5 : memref<128x128xf32, #tpu.memory_space<hbm>>) dst(%dma_wait3A_30 : memref<128x128xf32, #tpu.memory_space<vmem_shared>>)
    %barrier3A = arith.constant 0 : index
    tpu.barrier barrier_id(%barrier3A)
    %dma_start3A_31 = arith.constant 0 : i32
    %dma_start3A_32 = arith.constant 0 : i32
    %dma_start3A_33 = tpu.memref_slice %arg3[%add3A, %dma_start3A_31, %dma_start3A_32] : memref<32x80x128xi32, #tpu.memory_space<hbm>> -> memref<1x80x128xi32, #tpu.memory_space<hbm>>
    %dma_start3A_34 = tpu.memref_squeeze %dma_start3A_33 : memref<1x80x128xi32, #tpu.memory_space<hbm>> -> memref<80x128xi32, #tpu.memory_space<hbm>>
    %dma_start3A_35 = arith.constant 0 : i32
    %dma_start3A_36 = arith.constant 0 : i32
    %dma_start3A_37 = tpu.memref_slice %dma_start3A_34[%dma_start3A_35, %dma_start3A_36] : memref<80x128xi32, #tpu.memory_space<hbm>> -> memref<40x128xi32, #tpu.memory_space<hbm>>
    %dma_start3A_38 = arith.constant 0 : i32
    %dma_start3A_39 = arith.constant 0 : i32
    %dma_start3A_40 = tpu.memref_slice %arg3[%add3A, %dma_start3A_38, %dma_start3A_39] : memref<32x80x128xi32, #tpu.memory_space<hbm>> -> memref<1x80x128xi32, #tpu.memory_space<hbm>>
    %dma_start3A_41 = tpu.memref_squeeze %dma_start3A_40 : memref<1x80x128xi32, #tpu.memory_space<hbm>> -> memref<80x128xi32, #tpu.memory_space<hbm>>
    %dma_start3A_42 = arith.constant 0 : i32
    %dma_start3A_43 = arith.constant 0 : i32
    %dma_start3A_44 = tpu.memref_slice %dma_start3A_41[%dma_start3A_42, %dma_start3A_43] : memref<80x128xi32, #tpu.memory_space<hbm>> -> memref<40x128xi32, #tpu.memory_space<hbm>>
    tpu.enqueue_dma source(%dma_start3A_44 : memref<40x128xi32, #tpu.memory_space<hbm>>) target(%arg7 : memref<40x128xi32, #tpu.memory_space<vmem>>) target_semaphore(%arg12 : memref<!tpu.dma_semaphore, #tpu.memory_space<semaphore_mem>>)
    %dma_wait3A_45 = arith.constant 0 : i32
    %dma_wait3A_46 = arith.constant 0 : i32
    %dma_wait3A_47 = tpu.memref_slice %arg3[%add3A, %dma_wait3A_45, %dma_wait3A_46] : memref<32x80x128xi32, #tpu.memory_space<hbm>> -> memref<1x80x128xi32, #tpu.memory_space<hbm>>
    %dma_wait3A_48 = tpu.memref_squeeze %dma_wait3A_47 : memref<1x80x128xi32, #tpu.memory_space<hbm>> -> memref<80x128xi32, #tpu.memory_space<hbm>>
    %dma_wait3A_49 = arith.constant 0 : i32
    %dma_wait3A_50 = arith.constant 0 : i32
    %dma_wait3A_51 = tpu.memref_slice %dma_wait3A_48[%dma_wait3A_49, %dma_wait3A_50] : memref<80x128xi32, #tpu.memory_space<hbm>> -> memref<40x128xi32, #tpu.memory_space<hbm>>
    %dma_wait3A_52 = arith.constant 0 : i32
    %dma_wait3A_53 = arith.constant 0 : i32
    %dma_wait3A_54 = tpu.memref_slice %arg3[%add3A, %dma_wait3A_52, %dma_wait3A_53] : memref<32x80x128xi32, #tpu.memory_space<hbm>> -> memref<1x80x128xi32, #tpu.memory_space<hbm>>
    %dma_wait3A_55 = tpu.memref_squeeze %dma_wait3A_54 : memref<1x80x128xi32, #tpu.memory_space<hbm>> -> memref<80x128xi32, #tpu.memory_space<hbm>>
    %dma_wait3A_56 = arith.constant 0 : i32
    %dma_wait3A_57 = arith.constant 0 : i32
    %dma_wait3A_58 = tpu.memref_slice %dma_wait3A_55[%dma_wait3A_56, %dma_wait3A_57] : memref<80x128xi32, #tpu.memory_space<hbm>> -> memref<40x128xi32, #tpu.memory_space<hbm>>
    tpu.wait_dma2 semaphore(%arg12 : memref<!tpu.dma_semaphore, #tpu.memory_space<semaphore_mem>>) src(%dma_wait3A_58 : memref<40x128xi32, #tpu.memory_space<hbm>>) dst(%arg7 : memref<40x128xi32, #tpu.memory_space<vmem>>)
    %dma_start3A_59 = arith.constant 0 : i32
    %dma_start3A_60 = arith.constant 0 : i32
    %dma_start3A_61 = tpu.memref_slice %arg4[%add3A, %dma_start3A_59, %dma_start3A_60] : memref<32x80x128xi32, #tpu.memory_space<hbm>> -> memref<1x80x128xi32, #tpu.memory_space<hbm>>
    %dma_start3A_62 = tpu.memref_squeeze %dma_start3A_61 : memref<1x80x128xi32, #tpu.memory_space<hbm>> -> memref<80x128xi32, #tpu.memory_space<hbm>>
    %dma_start3A_63 = arith.constant 0 : i32
    %dma_start3A_64 = arith.constant 0 : i32
    %dma_start3A_65 = tpu.memref_slice %dma_start3A_62[%dma_start3A_63, %dma_start3A_64] : memref<80x128xi32, #tpu.memory_space<hbm>> -> memref<40x128xi32, #tpu.memory_space<hbm>>
    %dma_start3A_66 = arith.constant 0 : i32
    %dma_start3A_67 = arith.constant 0 : i32
    %dma_start3A_68 = tpu.memref_slice %arg4[%add3A, %dma_start3A_66, %dma_start3A_67] : memref<32x80x128xi32, #tpu.memory_space<hbm>> -> memref<1x80x128xi32, #tpu.memory_space<hbm>>
    %dma_start3A_69 = tpu.memref_squeeze %dma_start3A_68 : memref<1x80x128xi32, #tpu.memory_space<hbm>> -> memref<80x128xi32, #tpu.memory_space<hbm>>
    %dma_start3A_70 = arith.constant 0 : i32
    %dma_start3A_71 = arith.constant 0 : i32
    %dma_start3A_72 = tpu.memref_slice %dma_start3A_69[%dma_start3A_70, %dma_start3A_71] : memref<80x128xi32, #tpu.memory_space<hbm>> -> memref<40x128xi32, #tpu.memory_space<hbm>>
    tpu.enqueue_dma source(%dma_start3A_72 : memref<40x128xi32, #tpu.memory_space<hbm>>) target(%arg8 : memref<40x128xi32, #tpu.memory_space<vmem>>) target_semaphore(%arg12 : memref<!tpu.dma_semaphore, #tpu.memory_space<semaphore_mem>>)
    %dma_wait3A_73 = arith.constant 0 : i32
    %dma_wait3A_74 = arith.constant 0 : i32
    %dma_wait3A_75 = tpu.memref_slice %arg4[%add3A, %dma_wait3A_73, %dma_wait3A_74] : memref<32x80x128xi32, #tpu.memory_space<hbm>> -> memref<1x80x128xi32, #tpu.memory_space<hbm>>
    %dma_wait3A_76 = tpu.memref_squeeze %dma_wait3A_75 : memref<1x80x128xi32, #tpu.memory_space<hbm>> -> memref<80x128xi32, #tpu.memory_space<hbm>>
    %dma_wait3A_77 = arith.constant 0 : i32
    %dma_wait3A_78 = arith.constant 0 : i32
    %dma_wait3A_79 = tpu.memref_slice %dma_wait3A_76[%dma_wait3A_77, %dma_wait3A_78] : memref<80x128xi32, #tpu.memory_space<hbm>> -> memref<40x128xi32, #tpu.memory_space<hbm>>
    %dma_wait3A_80 = arith.constant 0 : i32
    %dma_wait3A_81 = arith.constant 0 : i32
    %dma_wait3A_82 = tpu.memref_slice %arg4[%add3A, %dma_wait3A_80, %dma_wait3A_81] : memref<32x80x128xi32, #tpu.memory_space<hbm>> -> memref<1x80x128xi32, #tpu.memory_space<hbm>>
    %dma_wait3A_83 = tpu.memref_squeeze %dma_wait3A_82 : memref<1x80x128xi32, #tpu.memory_space<hbm>> -> memref<80x128xi32, #tpu.memory_space<hbm>>
    %dma_wait3A_84 = arith.constant 0 : i32
    %dma_wait3A_85 = arith.constant 0 : i32
    %dma_wait3A_86 = tpu.memref_slice %dma_wait3A_83[%dma_wait3A_84, %dma_wait3A_85] : memref<80x128xi32, #tpu.memory_space<hbm>> -> memref<40x128xi32, #tpu.memory_space<hbm>>
    tpu.wait_dma2 semaphore(%arg12 : memref<!tpu.dma_semaphore, #tpu.memory_space<semaphore_mem>>) src(%dma_wait3A_86 : memref<40x128xi32, #tpu.memory_space<hbm>>) dst(%arg8 : memref<40x128xi32, #tpu.memory_space<vmem>>)
    %dma_start3A_87 = arith.constant 0 : i32
    %dma_start3A_88 = arith.constant 0 : i32
    %dma_start3A_89 = tpu.memref_slice %arg7[%dma_start3A_87, %dma_start3A_88] : memref<40x128xi32, #tpu.memory_space<vmem>> -> memref<1x128xi32, #tpu.memory_space<vmem>>
    %dma_start3A_90 = tpu.memref_squeeze %dma_start3A_89 : memref<1x128xi32, #tpu.memory_space<vmem>> -> memref<128xi32, #tpu.memory_space<vmem>>
    %dma_start3A_91 = arith.constant 0 : i32
    %dma_start3A_92 = arith.constant 0 : i32
    %dma_start3A_93 = tpu.memref_slice %arg2[%dma_start3A_91, %dma_start3A_92] : memref<10240x128xf32, #tpu.memory_space<hbm>> -> memref<10240x128xf32, #tpu.memory_space<hbm>>
    tpu.enqueue_indirect_dma source(%dma_start3A_93 : memref<10240x128xf32, #tpu.memory_space<hbm>>) target(%arg9 : memref<128x128xf32, #tpu.memory_space<vmem>>) offsets(%dma_start3A_90 : memref<128xi32, #tpu.memory_space<vmem>>) semaphore(%arg12 : memref<!tpu.dma_semaphore, #tpu.memory_space<semaphore_mem>>)
    %scan3A = arith.constant 0 : i32
    %scan3A_94 = arith.constant 0 : i32
    %scan3A_95 = arith.constant 20 : i32
    %scan3A_96 = arith.addi %scan3A_94, %scan3A_95 : i32
    %scan3A_97 = arith.constant 1 : i32
    scf.for %scan3A_185 = %scan3A_94 to %scan3A_96 step %scan3A_97  : i32 {
      %mul3A_186 = arith.constant 2 : i32
      %mul3A_187 = arith.muli %mul3A_186, %scan3A_185 : i32
      %add3A_188 = arith.constant 1 : i32
      %add3A_189 = arith.addi %mul3A_187, %add3A_188 : i32
      %dma_wait3A_190 = arith.constant 0 : i32
      %dma_wait3A_191 = arith.constant 0 : i32
      %dma_wait3A_192 = tpu.memref_slice %arg2[%dma_wait3A_190, %dma_wait3A_191] : memref<10240x128xf32, #tpu.memory_space<hbm>> -> memref<128x128xf32, #tpu.memory_space<hbm>>
      %dma_wait3A_193 = arith.constant 0 : i32
      %dma_wait3A_194 = arith.constant 0 : i32
      %dma_wait3A_195 = tpu.memref_slice %arg2[%dma_wait3A_193, %dma_wait3A_194] : memref<10240x128xf32, #tpu.memory_space<hbm>> -> memref<128x128xf32, #tpu.memory_space<hbm>>
      tpu.wait_dma2 semaphore(%arg12 : memref<!tpu.dma_semaphore, #tpu.memory_space<semaphore_mem>>) src(%dma_wait3A_195 : memref<128x128xf32, #tpu.memory_space<hbm>>) dst(%arg9 : memref<128x128xf32, #tpu.memory_space<vmem>>)
      %dma_start3A_196 = arith.constant 0 : i32
      %dma_start3A_197 = tpu.memref_slice %arg7[%add3A_189, %dma_start3A_196] : memref<40x128xi32, #tpu.memory_space<vmem>> -> memref<1x128xi32, #tpu.memory_space<vmem>>
      %dma_start3A_198 = tpu.memref_squeeze %dma_start3A_197 : memref<1x128xi32, #tpu.memory_space<vmem>> -> memref<128xi32, #tpu.memory_space<vmem>>
      %dma_start3A_199 = arith.constant 0 : i32
      %dma_start3A_200 = arith.constant 0 : i32
      %dma_start3A_201 = tpu.memref_slice %arg2[%dma_start3A_199, %dma_start3A_200] : memref<10240x128xf32, #tpu.memory_space<hbm>> -> memref<10240x128xf32, #tpu.memory_space<hbm>>
      tpu.enqueue_indirect_dma source(%dma_start3A_201 : memref<10240x128xf32, #tpu.memory_space<hbm>>) target(%arg10 : memref<128x128xf32, #tpu.memory_space<vmem>>) offsets(%dma_start3A_198 : memref<128xi32, #tpu.memory_space<vmem>>) semaphore(%arg12 : memref<!tpu.dma_semaphore, #tpu.memory_space<semaphore_mem>>)
      "tpu.region"() ({
        %run_scoped3A = tpu.sem_alloc : memref<!tpu.dma_semaphore, #tpu.memory_space<semaphore_mem>>
        %dma_start3A_212 = arith.constant 0 : i32
        %dma_start3A_213 = tpu.memref_slice %arg8[%mul3A_187, %dma_start3A_212] : memref<40x128xi32, #tpu.memory_space<vmem>> -> memref<1x128xi32, #tpu.memory_space<vmem>>
        %dma_start3A_214 = tpu.memref_squeeze %dma_start3A_213 : memref<1x128xi32, #tpu.memory_space<vmem>> -> memref<128xi32, #tpu.memory_space<vmem>>
        %dma_start3A_215 = arith.constant 0 : i32
        %dma_start3A_216 = arith.constant 0 : i32
        %dma_start3A_217 = tpu.memref_slice %arg11[%dma_start3A_215, %dma_start3A_216] : memref<10240x128xf32, #tpu.memory_space<vmem_shared>> -> memref<10240x128xf32, #tpu.memory_space<vmem_shared>>
        tpu.enqueue_indirect_dma source(%arg9 : memref<128x128xf32, #tpu.memory_space<vmem>>) target(%dma_start3A_217 : memref<10240x128xf32, #tpu.memory_space<vmem_shared>>) offsets(%dma_start3A_214 : memref<128xi32, #tpu.memory_space<vmem>>) semaphore(%run_scoped3A : memref<!tpu.dma_semaphore, #tpu.memory_space<semaphore_mem>>) {add = true}
        %dma_wait3A_218 = arith.constant 0 : i32
        %dma_wait3A_219 = tpu.memref_slice %arg8[%mul3A_187, %dma_wait3A_218] : memref<40x128xi32, #tpu.memory_space<vmem>> -> memref<1x128xi32, #tpu.memory_space<vmem>>
        %dma_wait3A_220 = tpu.memref_squeeze %dma_wait3A_219 : memref<1x128xi32, #tpu.memory_space<vmem>> -> memref<128xi32, #tpu.memory_space<vmem>>
        %dma_wait3A_221 = arith.constant 0 : i32
        %dma_wait3A_222 = arith.constant 0 : i32
        %dma_wait3A_223 = tpu.memref_slice %arg11[%dma_wait3A_221, %dma_wait3A_222] : memref<10240x128xf32, #tpu.memory_space<vmem_shared>> -> memref<10240x128xf32, #tpu.memory_space<vmem_shared>>
        tpu.wait_indirect_dma semaphore(%run_scoped3A : memref<!tpu.dma_semaphore, #tpu.memory_space<semaphore_mem>>) src(%arg9 : memref<128x128xf32, #tpu.memory_space<vmem>>) dst(%dma_wait3A_223 : memref<10240x128xf32, #tpu.memory_space<vmem_shared>>)
        tpu.yield
      }) : () -> ()
      %dma_wait3A_202 = arith.constant 0 : i32
      %dma_wait3A_203 = arith.constant 0 : i32
      %dma_wait3A_204 = tpu.memref_slice %arg2[%dma_wait3A_202, %dma_wait3A_203] : memref<10240x128xf32, #tpu.memory_space<hbm>> -> memref<128x128xf32, #tpu.memory_space<hbm>>
      %dma_wait3A_205 = arith.constant 0 : i32
      %dma_wait3A_206 = arith.constant 0 : i32
      %dma_wait3A_207 = tpu.memref_slice %arg2[%dma_wait3A_205, %dma_wait3A_206] : memref<10240x128xf32, #tpu.memory_space<hbm>> -> memref<128x128xf32, #tpu.memory_space<hbm>>
      tpu.wait_dma2 semaphore(%arg12 : memref<!tpu.dma_semaphore, #tpu.memory_space<semaphore_mem>>) src(%dma_wait3A_207 : memref<128x128xf32, #tpu.memory_space<hbm>>) dst(%arg9 : memref<128x128xf32, #tpu.memory_space<vmem>>)
      %add3A_208 = arith.constant 1 : i32
      %add3A_209 = arith.addi %add3A_189, %add3A_208 : i32
      %lt3A = arith.constant 40 : i32
      %lt3A_210 = arith.cmpi slt, %add3A_209, %lt3A : i32
      %convert_element_type3A = arith.extui %lt3A_210 : i1 to i32
      %cond3A = arith.constant 0 : i32
      %cond3A_211 = arith.cmpi ne, %convert_element_type3A, %cond3A : i32
      scf.if %cond3A_211 {
        %add3A_212 = arith.constant 1 : i32
        %add3A_213 = arith.addi %add3A_189, %add3A_212 : i32
        %dma_start3A_214 = arith.constant 0 : i32
        %dma_start3A_215 = tpu.memref_slice %arg7[%add3A_213, %dma_start3A_214] : memref<40x128xi32, #tpu.memory_space<vmem>> -> memref<1x128xi32, #tpu.memory_space<vmem>>
        %dma_start3A_216 = tpu.memref_squeeze %dma_start3A_215 : memref<1x128xi32, #tpu.memory_space<vmem>> -> memref<128xi32, #tpu.memory_space<vmem>>
        %dma_start3A_217 = arith.constant 0 : i32
        %dma_start3A_218 = arith.constant 0 : i32
        %dma_start3A_219 = tpu.memref_slice %arg2[%dma_start3A_217, %dma_start3A_218] : memref<10240x128xf32, #tpu.memory_space<hbm>> -> memref<10240x128xf32, #tpu.memory_space<hbm>>
        tpu.enqueue_indirect_dma source(%dma_start3A_219 : memref<10240x128xf32, #tpu.memory_space<hbm>>) target(%arg9 : memref<128x128xf32, #tpu.memory_space<vmem>>) offsets(%dma_start3A_216 : memref<128xi32, #tpu.memory_space<vmem>>) semaphore(%arg12 : memref<!tpu.dma_semaphore, #tpu.memory_space<semaphore_mem>>)
      } else {
      }
      "tpu.region"() ({
        %run_scoped3A = tpu.sem_alloc : memref<!tpu.dma_semaphore, #tpu.memory_space<semaphore_mem>>
        %dma_start3A_212 = arith.constant 0 : i32
        %dma_start3A_213 = tpu.memref_slice %arg8[%add3A_189, %dma_start3A_212] : memref<40x128xi32, #tpu.memory_space<vmem>> -> memref<1x128xi32, #tpu.memory_space<vmem>>
        %dma_start3A_214 = tpu.memref_squeeze %dma_start3A_213 : memref<1x128xi32, #tpu.memory_space<vmem>> -> memref<128xi32, #tpu.memory_space<vmem>>
        %dma_start3A_215 = arith.constant 0 : i32
        %dma_start3A_216 = arith.constant 0 : i32
        %dma_start3A_217 = tpu.memref_slice %arg11[%dma_start3A_215, %dma_start3A_216] : memref<10240x128xf32, #tpu.memory_space<vmem_shared>> -> memref<10240x128xf32, #tpu.memory_space<vmem_shared>>
        tpu.enqueue_indirect_dma source(%arg10 : memref<128x128xf32, #tpu.memory_space<vmem>>) target(%dma_start3A_217 : memref<10240x128xf32, #tpu.memory_space<vmem_shared>>) offsets(%dma_start3A_214 : memref<128xi32, #tpu.memory_space<vmem>>) semaphore(%run_scoped3A : memref<!tpu.dma_semaphore, #tpu.memory_space<semaphore_mem>>) {add = true}
        %dma_wait3A_218 = arith.constant 0 : i32
        %dma_wait3A_219 = tpu.memref_slice %arg8[%add3A_189, %dma_wait3A_218] : memref<40x128xi32, #tpu.memory_space<vmem>> -> memref<1x128xi32, #tpu.memory_space<vmem>>
        %dma_wait3A_220 = tpu.memref_squeeze %dma_wait3A_219 : memref<1x128xi32, #tpu.memory_space<vmem>> -> memref<128xi32, #tpu.memory_space<vmem>>
        %dma_wait3A_221 = arith.constant 0 : i32
        %dma_wait3A_222 = arith.constant 0 : i32
        %dma_wait3A_223 = tpu.memref_slice %arg11[%dma_wait3A_221, %dma_wait3A_222] : memref<10240x128xf32, #tpu.memory_space<vmem_shared>> -> memref<10240x128xf32, #tpu.memory_space<vmem_shared>>
        tpu.wait_indirect_dma semaphore(%run_scoped3A : memref<!tpu.dma_semaphore, #tpu.memory_space<semaphore_mem>>) src(%arg10 : memref<128x128xf32, #tpu.memory_space<vmem>>) dst(%dma_wait3A_223 : memref<10240x128xf32, #tpu.memory_space<vmem_shared>>)
        tpu.yield
      }) : () -> ()
    }
    %scan3A_98 = arith.constant 20 : i32
    %dma_start3A_99 = arith.constant 0 : i32
    %dma_start3A_100 = arith.constant 0 : i32
    %dma_start3A_101 = tpu.memref_slice %arg3[%add3A, %dma_start3A_99, %dma_start3A_100] : memref<32x80x128xi32, #tpu.memory_space<hbm>> -> memref<1x80x128xi32, #tpu.memory_space<hbm>>
    %dma_start3A_102 = tpu.memref_squeeze %dma_start3A_101 : memref<1x80x128xi32, #tpu.memory_space<hbm>> -> memref<80x128xi32, #tpu.memory_space<hbm>>
    %dma_start3A_103 = arith.constant 40 : i32
    %dma_start3A_104 = arith.constant 0 : i32
    %dma_start3A_105 = tpu.memref_slice %dma_start3A_102[%dma_start3A_103, %dma_start3A_104] : memref<80x128xi32, #tpu.memory_space<hbm>> -> memref<40x128xi32, #tpu.memory_space<hbm>>
    %dma_start3A_106 = arith.constant 0 : i32
    %dma_start3A_107 = arith.constant 0 : i32
    %dma_start3A_108 = tpu.memref_slice %arg3[%add3A, %dma_start3A_106, %dma_start3A_107] : memref<32x80x128xi32, #tpu.memory_space<hbm>> -> memref<1x80x128xi32, #tpu.memory_space<hbm>>
    %dma_start3A_109 = tpu.memref_squeeze %dma_start3A_108 : memref<1x80x128xi32, #tpu.memory_space<hbm>> -> memref<80x128xi32, #tpu.memory_space<hbm>>
    %dma_start3A_110 = arith.constant 40 : i32
    %dma_start3A_111 = arith.constant 0 : i32
    %dma_start3A_112 = tpu.memref_slice %dma_start3A_109[%dma_start3A_110, %dma_start3A_111] : memref<80x128xi32, #tpu.memory_space<hbm>> -> memref<40x128xi32, #tpu.memory_space<hbm>>
    tpu.enqueue_dma source(%dma_start3A_112 : memref<40x128xi32, #tpu.memory_space<hbm>>) target(%arg7 : memref<40x128xi32, #tpu.memory_space<vmem>>) target_semaphore(%arg12 : memref<!tpu.dma_semaphore, #tpu.memory_space<semaphore_mem>>)
    %dma_wait3A_113 = arith.constant 0 : i32
    %dma_wait3A_114 = arith.constant 0 : i32
    %dma_wait3A_115 = tpu.memref_slice %arg3[%add3A, %dma_wait3A_113, %dma_wait3A_114] : memref<32x80x128xi32, #tpu.memory_space<hbm>> -> memref<1x80x128xi32, #tpu.memory_space<hbm>>
    %dma_wait3A_116 = tpu.memref_squeeze %dma_wait3A_115 : memref<1x80x128xi32, #tpu.memory_space<hbm>> -> memref<80x128xi32, #tpu.memory_space<hbm>>
    %dma_wait3A_117 = arith.constant 40 : i32
    %dma_wait3A_118 = arith.constant 0 : i32
    %dma_wait3A_119 = tpu.memref_slice %dma_wait3A_116[%dma_wait3A_117, %dma_wait3A_118] : memref<80x128xi32, #tpu.memory_space<hbm>> -> memref<40x128xi32, #tpu.memory_space<hbm>>
    %dma_wait3A_120 = arith.constant 0 : i32
    %dma_wait3A_121 = arith.constant 0 : i32
    %dma_wait3A_122 = tpu.memref_slice %arg3[%add3A, %dma_wait3A_120, %dma_wait3A_121] : memref<32x80x128xi32, #tpu.memory_space<hbm>> -> memref<1x80x128xi32, #tpu.memory_space<hbm>>
    %dma_wait3A_123 = tpu.memref_squeeze %dma_wait3A_122 : memref<1x80x128xi32, #tpu.memory_space<hbm>> -> memref<80x128xi32, #tpu.memory_space<hbm>>
    %dma_wait3A_124 = arith.constant 40 : i32
    %dma_wait3A_125 = arith.constant 0 : i32
    %dma_wait3A_126 = tpu.memref_slice %dma_wait3A_123[%dma_wait3A_124, %dma_wait3A_125] : memref<80x128xi32, #tpu.memory_space<hbm>> -> memref<40x128xi32, #tpu.memory_space<hbm>>
    tpu.wait_dma2 semaphore(%arg12 : memref<!tpu.dma_semaphore, #tpu.memory_space<semaphore_mem>>) src(%dma_wait3A_126 : memref<40x128xi32, #tpu.memory_space<hbm>>) dst(%arg7 : memref<40x128xi32, #tpu.memory_space<vmem>>)
    %dma_start3A_127 = arith.constant 0 : i32
    %dma_start3A_128 = arith.constant 0 : i32
    %dma_start3A_129 = tpu.memref_slice %arg4[%add3A, %dma_start3A_127, %dma_start3A_128] : memref<32x80x128xi32, #tpu.memory_space<hbm>> -> memref<1x80x128xi32, #tpu.memory_space<hbm>>
    %dma_start3A_130 = tpu.memref_squeeze %dma_start3A_129 : memref<1x80x128xi32, #tpu.memory_space<hbm>> -> memref<80x128xi32, #tpu.memory_space<hbm>>
    %dma_start3A_131 = arith.constant 40 : i32
    %dma_start3A_132 = arith.constant 0 : i32
    %dma_start3A_133 = tpu.memref_slice %dma_start3A_130[%dma_start3A_131, %dma_start3A_132] : memref<80x128xi32, #tpu.memory_space<hbm>> -> memref<40x128xi32, #tpu.memory_space<hbm>>
    %dma_start3A_134 = arith.constant 0 : i32
    %dma_start3A_135 = arith.constant 0 : i32
    %dma_start3A_136 = tpu.memref_slice %arg4[%add3A, %dma_start3A_134, %dma_start3A_135] : memref<32x80x128xi32, #tpu.memory_space<hbm>> -> memref<1x80x128xi32, #tpu.memory_space<hbm>>
    %dma_start3A_137 = tpu.memref_squeeze %dma_start3A_136 : memref<1x80x128xi32, #tpu.memory_space<hbm>> -> memref<80x128xi32, #tpu.memory_space<hbm>>
    %dma_start3A_138 = arith.constant 40 : i32
    %dma_start3A_139 = arith.constant 0 : i32
    %dma_start3A_140 = tpu.memref_slice %dma_start3A_137[%dma_start3A_138, %dma_start3A_139] : memref<80x128xi32, #tpu.memory_space<hbm>> -> memref<40x128xi32, #tpu.memory_space<hbm>>
    tpu.enqueue_dma source(%dma_start3A_140 : memref<40x128xi32, #tpu.memory_space<hbm>>) target(%arg8 : memref<40x128xi32, #tpu.memory_space<vmem>>) target_semaphore(%arg12 : memref<!tpu.dma_semaphore, #tpu.memory_space<semaphore_mem>>)
    %dma_wait3A_141 = arith.constant 0 : i32
    %dma_wait3A_142 = arith.constant 0 : i32
    %dma_wait3A_143 = tpu.memref_slice %arg4[%add3A, %dma_wait3A_141, %dma_wait3A_142] : memref<32x80x128xi32, #tpu.memory_space<hbm>> -> memref<1x80x128xi32, #tpu.memory_space<hbm>>
    %dma_wait3A_144 = tpu.memref_squeeze %dma_wait3A_143 : memref<1x80x128xi32, #tpu.memory_space<hbm>> -> memref<80x128xi32, #tpu.memory_space<hbm>>
    %dma_wait3A_145 = arith.constant 40 : i32
    %dma_wait3A_146 = arith.constant 0 : i32
    %dma_wait3A_147 = tpu.memref_slice %dma_wait3A_144[%dma_wait3A_145, %dma_wait3A_146] : memref<80x128xi32, #tpu.memory_space<hbm>> -> memref<40x128xi32, #tpu.memory_space<hbm>>
    %dma_wait3A_148 = arith.constant 0 : i32
    %dma_wait3A_149 = arith.constant 0 : i32
    %dma_wait3A_150 = tpu.memref_slice %arg4[%add3A, %dma_wait3A_148, %dma_wait3A_149] : memref<32x80x128xi32, #tpu.memory_space<hbm>> -> memref<1x80x128xi32, #tpu.memory_space<hbm>>
    %dma_wait3A_151 = tpu.memref_squeeze %dma_wait3A_150 : memref<1x80x128xi32, #tpu.memory_space<hbm>> -> memref<80x128xi32, #tpu.memory_space<hbm>>
    %dma_wait3A_152 = arith.constant 40 : i32
    %dma_wait3A_153 = arith.constant 0 : i32
    %dma_wait3A_154 = tpu.memref_slice %dma_wait3A_151[%dma_wait3A_152, %dma_wait3A_153] : memref<80x128xi32, #tpu.memory_space<hbm>> -> memref<40x128xi32, #tpu.memory_space<hbm>>
    tpu.wait_dma2 semaphore(%arg12 : memref<!tpu.dma_semaphore, #tpu.memory_space<semaphore_mem>>) src(%dma_wait3A_154 : memref<40x128xi32, #tpu.memory_space<hbm>>) dst(%arg8 : memref<40x128xi32, #tpu.memory_space<vmem>>)
    %dma_start3A_155 = arith.constant 0 : i32
    %dma_start3A_156 = arith.constant 0 : i32
    %dma_start3A_157 = tpu.memref_slice %arg7[%dma_start3A_155, %dma_start3A_156] : memref<40x128xi32, #tpu.memory_space<vmem>> -> memref<1x128xi32, #tpu.memory_space<vmem>>
    %dma_start3A_158 = tpu.memref_squeeze %dma_start3A_157 : memref<1x128xi32, #tpu.memory_space<vmem>> -> memref<128xi32, #tpu.memory_space<vmem>>
    %dma_start3A_159 = arith.constant 0 : i32
    %dma_start3A_160 = arith.constant 0 : i32
    %dma_start3A_161 = tpu.memref_slice %arg2[%dma_start3A_159, %dma_start3A_160] : memref<10240x128xf32, #tpu.memory_space<hbm>> -> memref<10240x128xf32, #tpu.memory_space<hbm>>
    tpu.enqueue_indirect_dma source(%dma_start3A_161 : memref<10240x128xf32, #tpu.memory_space<hbm>>) target(%arg9 : memref<128x128xf32, #tpu.memory_space<vmem>>) offsets(%dma_start3A_158 : memref<128xi32, #tpu.memory_space<vmem>>) semaphore(%arg12 : memref<!tpu.dma_semaphore, #tpu.memory_space<semaphore_mem>>)
    %scan3A_162 = arith.constant 0 : i32
    %scan3A_163 = arith.constant 0 : i32
    %scan3A_164 = arith.constant 20 : i32
    %scan3A_165 = arith.addi %scan3A_163, %scan3A_164 : i32
    %scan3A_166 = arith.constant 1 : i32
    scf.for %scan3A_185 = %scan3A_163 to %scan3A_165 step %scan3A_166  : i32 {
      %mul3A_186 = arith.constant 2 : i32
      %mul3A_187 = arith.muli %mul3A_186, %scan3A_185 : i32
      %add3A_188 = arith.constant 1 : i32
      %add3A_189 = arith.addi %mul3A_187, %add3A_188 : i32
      %dma_wait3A_190 = arith.constant 0 : i32
      %dma_wait3A_191 = arith.constant 0 : i32
      %dma_wait3A_192 = tpu.memref_slice %arg2[%dma_wait3A_190, %dma_wait3A_191] : memref<10240x128xf32, #tpu.memory_space<hbm>> -> memref<128x128xf32, #tpu.memory_space<hbm>>
      %dma_wait3A_193 = arith.constant 0 : i32
      %dma_wait3A_194 = arith.constant 0 : i32
      %dma_wait3A_195 = tpu.memref_slice %arg2[%dma_wait3A_193, %dma_wait3A_194] : memref<10240x128xf32, #tpu.memory_space<hbm>> -> memref<128x128xf32, #tpu.memory_space<hbm>>
      tpu.wait_dma2 semaphore(%arg12 : memref<!tpu.dma_semaphore, #tpu.memory_space<semaphore_mem>>) src(%dma_wait3A_195 : memref<128x128xf32, #tpu.memory_space<hbm>>) dst(%arg9 : memref<128x128xf32, #tpu.memory_space<vmem>>)
      %dma_start3A_196 = arith.constant 0 : i32
      %dma_start3A_197 = tpu.memref_slice %arg7[%add3A_189, %dma_start3A_196] : memref<40x128xi32, #tpu.memory_space<vmem>> -> memref<1x128xi32, #tpu.memory_space<vmem>>
      %dma_start3A_198 = tpu.memref_squeeze %dma_start3A_197 : memref<1x128xi32, #tpu.memory_space<vmem>> -> memref<128xi32, #tpu.memory_space<vmem>>
      %dma_start3A_199 = arith.constant 0 : i32
      %dma_start3A_200 = arith.constant 0 : i32
      %dma_start3A_201 = tpu.memref_slice %arg2[%dma_start3A_199, %dma_start3A_200] : memref<10240x128xf32, #tpu.memory_space<hbm>> -> memref<10240x128xf32, #tpu.memory_space<hbm>>
      tpu.enqueue_indirect_dma source(%dma_start3A_201 : memref<10240x128xf32, #tpu.memory_space<hbm>>) target(%arg10 : memref<128x128xf32, #tpu.memory_space<vmem>>) offsets(%dma_start3A_198 : memref<128xi32, #tpu.memory_space<vmem>>) semaphore(%arg12 : memref<!tpu.dma_semaphore, #tpu.memory_space<semaphore_mem>>)
      "tpu.region"() ({
        %run_scoped3A = tpu.sem_alloc : memref<!tpu.dma_semaphore, #tpu.memory_space<semaphore_mem>>
        %dma_start3A_212 = arith.constant 0 : i32
        %dma_start3A_213 = tpu.memref_slice %arg8[%mul3A_187, %dma_start3A_212] : memref<40x128xi32, #tpu.memory_space<vmem>> -> memref<1x128xi32, #tpu.memory_space<vmem>>
        %dma_start3A_214 = tpu.memref_squeeze %dma_start3A_213 : memref<1x128xi32, #tpu.memory_space<vmem>> -> memref<128xi32, #tpu.memory_space<vmem>>
        %dma_start3A_215 = arith.constant 0 : i32
        %dma_start3A_216 = arith.constant 0 : i32
        %dma_start3A_217 = tpu.memref_slice %arg11[%dma_start3A_215, %dma_start3A_216] : memref<10240x128xf32, #tpu.memory_space<vmem_shared>> -> memref<10240x128xf32, #tpu.memory_space<vmem_shared>>
        tpu.enqueue_indirect_dma source(%arg9 : memref<128x128xf32, #tpu.memory_space<vmem>>) target(%dma_start3A_217 : memref<10240x128xf32, #tpu.memory_space<vmem_shared>>) offsets(%dma_start3A_214 : memref<128xi32, #tpu.memory_space<vmem>>) semaphore(%run_scoped3A : memref<!tpu.dma_semaphore, #tpu.memory_space<semaphore_mem>>) {add = true}
        %dma_wait3A_218 = arith.constant 0 : i32
        %dma_wait3A_219 = tpu.memref_slice %arg8[%mul3A_187, %dma_wait3A_218] : memref<40x128xi32, #tpu.memory_space<vmem>> -> memref<1x128xi32, #tpu.memory_space<vmem>>
        %dma_wait3A_220 = tpu.memref_squeeze %dma_wait3A_219 : memref<1x128xi32, #tpu.memory_space<vmem>> -> memref<128xi32, #tpu.memory_space<vmem>>
        %dma_wait3A_221 = arith.constant 0 : i32
        %dma_wait3A_222 = arith.constant 0 : i32
        %dma_wait3A_223 = tpu.memref_slice %arg11[%dma_wait3A_221, %dma_wait3A_222] : memref<10240x128xf32, #tpu.memory_space<vmem_shared>> -> memref<10240x128xf32, #tpu.memory_space<vmem_shared>>
        tpu.wait_indirect_dma semaphore(%run_scoped3A : memref<!tpu.dma_semaphore, #tpu.memory_space<semaphore_mem>>) src(%arg9 : memref<128x128xf32, #tpu.memory_space<vmem>>) dst(%dma_wait3A_223 : memref<10240x128xf32, #tpu.memory_space<vmem_shared>>)
        tpu.yield
      }) : () -> ()
      %dma_wait3A_202 = arith.constant 0 : i32
      %dma_wait3A_203 = arith.constant 0 : i32
      %dma_wait3A_204 = tpu.memref_slice %arg2[%dma_wait3A_202, %dma_wait3A_203] : memref<10240x128xf32, #tpu.memory_space<hbm>> -> memref<128x128xf32, #tpu.memory_space<hbm>>
      %dma_wait3A_205 = arith.constant 0 : i32
      %dma_wait3A_206 = arith.constant 0 : i32
      %dma_wait3A_207 = tpu.memref_slice %arg2[%dma_wait3A_205, %dma_wait3A_206] : memref<10240x128xf32, #tpu.memory_space<hbm>> -> memref<128x128xf32, #tpu.memory_space<hbm>>
      tpu.wait_dma2 semaphore(%arg12 : memref<!tpu.dma_semaphore, #tpu.memory_space<semaphore_mem>>) src(%dma_wait3A_207 : memref<128x128xf32, #tpu.memory_space<hbm>>) dst(%arg9 : memref<128x128xf32, #tpu.memory_space<vmem>>)
      %add3A_208 = arith.constant 1 : i32
      %add3A_209 = arith.addi %add3A_189, %add3A_208 : i32
      %lt3A = arith.constant 40 : i32
      %lt3A_210 = arith.cmpi slt, %add3A_209, %lt3A : i32
      %convert_element_type3A = arith.extui %lt3A_210 : i1 to i32
      %cond3A = arith.constant 0 : i32
      %cond3A_211 = arith.cmpi ne, %convert_element_type3A, %cond3A : i32
      scf.if %cond3A_211 {
        %add3A_212 = arith.constant 1 : i32
        %add3A_213 = arith.addi %add3A_189, %add3A_212 : i32
        %dma_start3A_214 = arith.constant 0 : i32
        %dma_start3A_215 = tpu.memref_slice %arg7[%add3A_213, %dma_start3A_214] : memref<40x128xi32, #tpu.memory_space<vmem>> -> memref<1x128xi32, #tpu.memory_space<vmem>>
        %dma_start3A_216 = tpu.memref_squeeze %dma_start3A_215 : memref<1x128xi32, #tpu.memory_space<vmem>> -> memref<128xi32, #tpu.memory_space<vmem>>
        %dma_start3A_217 = arith.constant 0 : i32
        %dma_start3A_218 = arith.constant 0 : i32
        %dma_start3A_219 = tpu.memref_slice %arg2[%dma_start3A_217, %dma_start3A_218] : memref<10240x128xf32, #tpu.memory_space<hbm>> -> memref<10240x128xf32, #tpu.memory_space<hbm>>
        tpu.enqueue_indirect_dma source(%dma_start3A_219 : memref<10240x128xf32, #tpu.memory_space<hbm>>) target(%arg9 : memref<128x128xf32, #tpu.memory_space<vmem>>) offsets(%dma_start3A_216 : memref<128xi32, #tpu.memory_space<vmem>>) semaphore(%arg12 : memref<!tpu.dma_semaphore, #tpu.memory_space<semaphore_mem>>)
      } else {
      }
      "tpu.region"() ({
        %run_scoped3A = tpu.sem_alloc : memref<!tpu.dma_semaphore, #tpu.memory_space<semaphore_mem>>
        %dma_start3A_212 = arith.constant 0 : i32
        %dma_start3A_213 = tpu.memref_slice %arg8[%add3A_189, %dma_start3A_212] : memref<40x128xi32, #tpu.memory_space<vmem>> -> memref<1x128xi32, #tpu.memory_space<vmem>>
        %dma_start3A_214 = tpu.memref_squeeze %dma_start3A_213 : memref<1x128xi32, #tpu.memory_space<vmem>> -> memref<128xi32, #tpu.memory_space<vmem>>
        %dma_start3A_215 = arith.constant 0 : i32
        %dma_start3A_216 = arith.constant 0 : i32
        %dma_start3A_217 = tpu.memref_slice %arg11[%dma_start3A_215, %dma_start3A_216] : memref<10240x128xf32, #tpu.memory_space<vmem_shared>> -> memref<10240x128xf32, #tpu.memory_space<vmem_shared>>
        tpu.enqueue_indirect_dma source(%arg10 : memref<128x128xf32, #tpu.memory_space<vmem>>) target(%dma_start3A_217 : memref<10240x128xf32, #tpu.memory_space<vmem_shared>>) offsets(%dma_start3A_214 : memref<128xi32, #tpu.memory_space<vmem>>) semaphore(%run_scoped3A : memref<!tpu.dma_semaphore, #tpu.memory_space<semaphore_mem>>) {add = true}
        %dma_wait3A_218 = arith.constant 0 : i32
        %dma_wait3A_219 = tpu.memref_slice %arg8[%add3A_189, %dma_wait3A_218] : memref<40x128xi32, #tpu.memory_space<vmem>> -> memref<1x128xi32, #tpu.memory_space<vmem>>
        %dma_wait3A_220 = tpu.memref_squeeze %dma_wait3A_219 : memref<1x128xi32, #tpu.memory_space<vmem>> -> memref<128xi32, #tpu.memory_space<vmem>>
        %dma_wait3A_221 = arith.constant 0 : i32
        %dma_wait3A_222 = arith.constant 0 : i32
        %dma_wait3A_223 = tpu.memref_slice %arg11[%dma_wait3A_221, %dma_wait3A_222] : memref<10240x128xf32, #tpu.memory_space<vmem_shared>> -> memref<10240x128xf32, #tpu.memory_space<vmem_shared>>
        tpu.wait_indirect_dma semaphore(%run_scoped3A : memref<!tpu.dma_semaphore, #tpu.memory_space<semaphore_mem>>) src(%arg10 : memref<128x128xf32, #tpu.memory_space<vmem>>) dst(%dma_wait3A_223 : memref<10240x128xf32, #tpu.memory_space<vmem_shared>>)
        tpu.yield
      }) : () -> ()
    }
    %scan3A_167 = arith.constant 20 : i32
    %barrier3A_168 = arith.constant 0 : index
    tpu.barrier barrier_id(%barrier3A_168)
    %dma_start3A_169 = arith.constant 0 : i32
    %dma_start3A_170 = arith.constant 0 : i32
    %dma_start3A_171 = tpu.memref_slice %arg6[%arg0, %dma_start3A_169, %dma_start3A_170] : memref<2x10240x128xf32, #tpu.memory_space<hbm>> -> memref<1x10240x128xf32, #tpu.memory_space<hbm>>
    %dma_start3A_172 = tpu.memref_squeeze %dma_start3A_171 : memref<1x10240x128xf32, #tpu.memory_space<hbm>> -> memref<10240x128xf32, #tpu.memory_space<hbm>>
    %dma_start3A_173 = arith.constant 0 : i32
    %dma_start3A_174 = tpu.memref_slice %dma_start3A_172[%mul3A_2, %dma_start3A_173] : memref<10240x128xf32, #tpu.memory_space<hbm>> -> memref<640x128xf32, #tpu.memory_space<hbm>>
    %dma_start3A_175 = arith.constant 0 : i32
    %dma_start3A_176 = tpu.memref_slice %arg11[%mul3A_2, %dma_start3A_175] : memref<10240x128xf32, #tpu.memory_space<vmem_shared>> -> memref<640x128xf32, #tpu.memory_space<vmem_shared>>
    tpu.enqueue_dma source(%dma_start3A_176 : memref<640x128xf32, #tpu.memory_space<vmem_shared>>) target(%dma_start3A_174 : memref<640x128xf32, #tpu.memory_space<hbm>>) target_semaphore(%arg12 : memref<!tpu.dma_semaphore, #tpu.memory_space<semaphore_mem>>)
    %dma_wait3A_177 = arith.constant 0 : i32
    %dma_wait3A_178 = arith.constant 0 : i32
    %dma_wait3A_179 = tpu.memref_slice %arg6[%arg0, %dma_wait3A_177, %dma_wait3A_178] : memref<2x10240x128xf32, #tpu.memory_space<hbm>> -> memref<1x10240x128xf32, #tpu.memory_space<hbm>>
    %dma_wait3A_180 = tpu.memref_squeeze %dma_wait3A_179 : memref<1x10240x128xf32, #tpu.memory_space<hbm>> -> memref<10240x128xf32, #tpu.memory_space<hbm>>
    %dma_wait3A_181 = arith.constant 0 : i32
    %dma_wait3A_182 = tpu.memref_slice %dma_wait3A_180[%mul3A_2, %dma_wait3A_181] : memref<10240x128xf32, #tpu.memory_space<hbm>> -> memref<640x128xf32, #tpu.memory_space<hbm>>
    %dma_wait3A_183 = arith.constant 0 : i32
    %dma_wait3A_184 = tpu.memref_slice %arg11[%mul3A_2, %dma_wait3A_183] : memref<10240x128xf32, #tpu.memory_space<vmem_shared>> -> memref<640x128xf32, #tpu.memory_space<vmem_shared>>
    tpu.wait_dma2 semaphore(%arg12 : memref<!tpu.dma_semaphore, #tpu.memory_space<semaphore_mem>>) src(%dma_wait3A_184 : memref<640x128xf32, #tpu.memory_space<vmem_shared>>) dst(%dma_wait3A_182 : memref<640x128xf32, #tpu.memory_space<hbm>>)
    return
  }
}

#map = affine_map<(d0, d1) -> (0, 0, 0)>
#map1 = affine_map<(d0, d1) -> (0, 0)>
module attributes {stable_mosaic.version = 14 : i64} {
  func.func @_deg_body(%arg0: i32, %arg1: i32, %arg2: memref<32x80x128xi32, #tpu.memory_space<hbm>>, %arg3: memref<128x16xf32, #tpu.memory_space<hbm>>, %arg4: memref<128x16xf32, #tpu.memory_space<hbm>>, %arg5: memref<2x10240x16xf32, #tpu.memory_space<hbm>>, %arg6: memref<80x128xi32, #tpu.memory_space<vmem>>, %arg7: memref<128x16xf32, #tpu.memory_space<vmem>>, %arg8: memref<10240x16xf32, #tpu.memory_space<vmem_shared>>, %arg9: memref<!tpu.dma_semaphore, #tpu.memory_space<semaphore_mem>>) attributes {dimension_semantics = [#tpu.dimension_semantics<core_parallel>, #tpu.dimension_semantics<subcore_parallel>], iteration_bounds = array<i64: 2, 16>, scalar_prefetch = 0 : i64, scratch_operands = 4 : i64, tpu.core_type = #tpu.core_type<sc_vector_subcore>, window_params = [{transform_indices = #map}, {transform_indices = #map1}, {transform_indices = #map1}, {transform_indices = #map}]} {
    %mul3A = arith.constant 2 : i32
    %mul3A_0 = arith.muli %arg1, %mul3A : i32
    %add3A = arith.addi %mul3A_0, %arg0 : i32
    %mul3A_1 = arith.constant 640 : i32
    %mul3A_2 = arith.muli %arg1, %mul3A_1 : i32
    %add3A_3 = arith.constant 0 : i32
    %add3A_4 = arith.addi %mul3A_2, %add3A_3 : i32
    %dma_start3A = arith.constant 0 : i32
    %dma_start3A_5 = tpu.memref_slice %arg8[%add3A_4, %dma_start3A] : memref<10240x16xf32, #tpu.memory_space<vmem_shared>> -> memref<128x16xf32, #tpu.memory_space<vmem_shared>>
    tpu.enqueue_dma source(%arg4 : memref<128x16xf32, #tpu.memory_space<hbm>>) target(%dma_start3A_5 : memref<128x16xf32, #tpu.memory_space<vmem_shared>>) target_semaphore(%arg9 : memref<!tpu.dma_semaphore, #tpu.memory_space<semaphore_mem>>)
    %dma_wait3A = arith.constant 0 : i32
    %dma_wait3A_6 = tpu.memref_slice %arg8[%add3A_4, %dma_wait3A] : memref<10240x16xf32, #tpu.memory_space<vmem_shared>> -> memref<128x16xf32, #tpu.memory_space<vmem_shared>>
    tpu.wait_dma2 semaphore(%arg9 : memref<!tpu.dma_semaphore, #tpu.memory_space<semaphore_mem>>) src(%arg4 : memref<128x16xf32, #tpu.memory_space<hbm>>) dst(%dma_wait3A_6 : memref<128x16xf32, #tpu.memory_space<vmem_shared>>)
    %add3A_7 = arith.constant 128 : i32
    %add3A_8 = arith.addi %mul3A_2, %add3A_7 : i32
    %dma_start3A_9 = arith.constant 0 : i32
    %dma_start3A_10 = tpu.memref_slice %arg8[%add3A_8, %dma_start3A_9] : memref<10240x16xf32, #tpu.memory_space<vmem_shared>> -> memref<128x16xf32, #tpu.memory_space<vmem_shared>>
    tpu.enqueue_dma source(%arg4 : memref<128x16xf32, #tpu.memory_space<hbm>>) target(%dma_start3A_10 : memref<128x16xf32, #tpu.memory_space<vmem_shared>>) target_semaphore(%arg9 : memref<!tpu.dma_semaphore, #tpu.memory_space<semaphore_mem>>)
    %dma_wait3A_11 = arith.constant 0 : i32
    %dma_wait3A_12 = tpu.memref_slice %arg8[%add3A_8, %dma_wait3A_11] : memref<10240x16xf32, #tpu.memory_space<vmem_shared>> -> memref<128x16xf32, #tpu.memory_space<vmem_shared>>
    tpu.wait_dma2 semaphore(%arg9 : memref<!tpu.dma_semaphore, #tpu.memory_space<semaphore_mem>>) src(%arg4 : memref<128x16xf32, #tpu.memory_space<hbm>>) dst(%dma_wait3A_12 : memref<128x16xf32, #tpu.memory_space<vmem_shared>>)
    %add3A_13 = arith.constant 256 : i32
    %add3A_14 = arith.addi %mul3A_2, %add3A_13 : i32
    %dma_start3A_15 = arith.constant 0 : i32
    %dma_start3A_16 = tpu.memref_slice %arg8[%add3A_14, %dma_start3A_15] : memref<10240x16xf32, #tpu.memory_space<vmem_shared>> -> memref<128x16xf32, #tpu.memory_space<vmem_shared>>
    tpu.enqueue_dma source(%arg4 : memref<128x16xf32, #tpu.memory_space<hbm>>) target(%dma_start3A_16 : memref<128x16xf32, #tpu.memory_space<vmem_shared>>) target_semaphore(%arg9 : memref<!tpu.dma_semaphore, #tpu.memory_space<semaphore_mem>>)
    %dma_wait3A_17 = arith.constant 0 : i32
    %dma_wait3A_18 = tpu.memref_slice %arg8[%add3A_14, %dma_wait3A_17] : memref<10240x16xf32, #tpu.memory_space<vmem_shared>> -> memref<128x16xf32, #tpu.memory_space<vmem_shared>>
    tpu.wait_dma2 semaphore(%arg9 : memref<!tpu.dma_semaphore, #tpu.memory_space<semaphore_mem>>) src(%arg4 : memref<128x16xf32, #tpu.memory_space<hbm>>) dst(%dma_wait3A_18 : memref<128x16xf32, #tpu.memory_space<vmem_shared>>)
    %add3A_19 = arith.constant 384 : i32
    %add3A_20 = arith.addi %mul3A_2, %add3A_19 : i32
    %dma_start3A_21 = arith.constant 0 : i32
    %dma_start3A_22 = tpu.memref_slice %arg8[%add3A_20, %dma_start3A_21] : memref<10240x16xf32, #tpu.memory_space<vmem_shared>> -> memref<128x16xf32, #tpu.memory_space<vmem_shared>>
    tpu.enqueue_dma source(%arg4 : memref<128x16xf32, #tpu.memory_space<hbm>>) target(%dma_start3A_22 : memref<128x16xf32, #tpu.memory_space<vmem_shared>>) target_semaphore(%arg9 : memref<!tpu.dma_semaphore, #tpu.memory_space<semaphore_mem>>)
    %dma_wait3A_23 = arith.constant 0 : i32
    %dma_wait3A_24 = tpu.memref_slice %arg8[%add3A_20, %dma_wait3A_23] : memref<10240x16xf32, #tpu.memory_space<vmem_shared>> -> memref<128x16xf32, #tpu.memory_space<vmem_shared>>
    tpu.wait_dma2 semaphore(%arg9 : memref<!tpu.dma_semaphore, #tpu.memory_space<semaphore_mem>>) src(%arg4 : memref<128x16xf32, #tpu.memory_space<hbm>>) dst(%dma_wait3A_24 : memref<128x16xf32, #tpu.memory_space<vmem_shared>>)
    %add3A_25 = arith.constant 512 : i32
    %add3A_26 = arith.addi %mul3A_2, %add3A_25 : i32
    %dma_start3A_27 = arith.constant 0 : i32
    %dma_start3A_28 = tpu.memref_slice %arg8[%add3A_26, %dma_start3A_27] : memref<10240x16xf32, #tpu.memory_space<vmem_shared>> -> memref<128x16xf32, #tpu.memory_space<vmem_shared>>
    tpu.enqueue_dma source(%arg4 : memref<128x16xf32, #tpu.memory_space<hbm>>) target(%dma_start3A_28 : memref<128x16xf32, #tpu.memory_space<vmem_shared>>) target_semaphore(%arg9 : memref<!tpu.dma_semaphore, #tpu.memory_space<semaphore_mem>>)
    %dma_wait3A_29 = arith.constant 0 : i32
    %dma_wait3A_30 = tpu.memref_slice %arg8[%add3A_26, %dma_wait3A_29] : memref<10240x16xf32, #tpu.memory_space<vmem_shared>> -> memref<128x16xf32, #tpu.memory_space<vmem_shared>>
    tpu.wait_dma2 semaphore(%arg9 : memref<!tpu.dma_semaphore, #tpu.memory_space<semaphore_mem>>) src(%arg4 : memref<128x16xf32, #tpu.memory_space<hbm>>) dst(%dma_wait3A_30 : memref<128x16xf32, #tpu.memory_space<vmem_shared>>)
    tpu.enqueue_dma source(%arg3 : memref<128x16xf32, #tpu.memory_space<hbm>>) target(%arg7 : memref<128x16xf32, #tpu.memory_space<vmem>>) target_semaphore(%arg9 : memref<!tpu.dma_semaphore, #tpu.memory_space<semaphore_mem>>)
    tpu.wait_dma2 semaphore(%arg9 : memref<!tpu.dma_semaphore, #tpu.memory_space<semaphore_mem>>) src(%arg3 : memref<128x16xf32, #tpu.memory_space<hbm>>) dst(%arg7 : memref<128x16xf32, #tpu.memory_space<vmem>>)
    %dma_start3A_31 = arith.constant 0 : i32
    %dma_start3A_32 = arith.constant 0 : i32
    %dma_start3A_33 = tpu.memref_slice %arg2[%add3A, %dma_start3A_31, %dma_start3A_32] : memref<32x80x128xi32, #tpu.memory_space<hbm>> -> memref<1x80x128xi32, #tpu.memory_space<hbm>>
    %dma_start3A_34 = tpu.memref_squeeze %dma_start3A_33 : memref<1x80x128xi32, #tpu.memory_space<hbm>> -> memref<80x128xi32, #tpu.memory_space<hbm>>
    %dma_start3A_35 = arith.constant 0 : i32
    %dma_start3A_36 = arith.constant 0 : i32
    %dma_start3A_37 = tpu.memref_slice %arg2[%add3A, %dma_start3A_35, %dma_start3A_36] : memref<32x80x128xi32, #tpu.memory_space<hbm>> -> memref<1x80x128xi32, #tpu.memory_space<hbm>>
    %dma_start3A_38 = tpu.memref_squeeze %dma_start3A_37 : memref<1x80x128xi32, #tpu.memory_space<hbm>> -> memref<80x128xi32, #tpu.memory_space<hbm>>
    tpu.enqueue_dma source(%dma_start3A_38 : memref<80x128xi32, #tpu.memory_space<hbm>>) target(%arg6 : memref<80x128xi32, #tpu.memory_space<vmem>>) target_semaphore(%arg9 : memref<!tpu.dma_semaphore, #tpu.memory_space<semaphore_mem>>)
    %dma_wait3A_39 = arith.constant 0 : i32
    %dma_wait3A_40 = arith.constant 0 : i32
    %dma_wait3A_41 = tpu.memref_slice %arg2[%add3A, %dma_wait3A_39, %dma_wait3A_40] : memref<32x80x128xi32, #tpu.memory_space<hbm>> -> memref<1x80x128xi32, #tpu.memory_space<hbm>>
    %dma_wait3A_42 = tpu.memref_squeeze %dma_wait3A_41 : memref<1x80x128xi32, #tpu.memory_space<hbm>> -> memref<80x128xi32, #tpu.memory_space<hbm>>
    %dma_wait3A_43 = arith.constant 0 : i32
    %dma_wait3A_44 = arith.constant 0 : i32
    %dma_wait3A_45 = tpu.memref_slice %arg2[%add3A, %dma_wait3A_43, %dma_wait3A_44] : memref<32x80x128xi32, #tpu.memory_space<hbm>> -> memref<1x80x128xi32, #tpu.memory_space<hbm>>
    %dma_wait3A_46 = tpu.memref_squeeze %dma_wait3A_45 : memref<1x80x128xi32, #tpu.memory_space<hbm>> -> memref<80x128xi32, #tpu.memory_space<hbm>>
    tpu.wait_dma2 semaphore(%arg9 : memref<!tpu.dma_semaphore, #tpu.memory_space<semaphore_mem>>) src(%dma_wait3A_46 : memref<80x128xi32, #tpu.memory_space<hbm>>) dst(%arg6 : memref<80x128xi32, #tpu.memory_space<vmem>>)
    %barrier3A = arith.constant 0 : index
    tpu.barrier barrier_id(%barrier3A)
    %scan3A = arith.constant 0 : i32
    %scan3A_47 = arith.constant 0 : i32
    %scan3A_48 = arith.constant 80 : i32
    %scan3A_49 = arith.addi %scan3A_47, %scan3A_48 : i32
    %scan3A_50 = arith.constant 1 : i32
    scf.for %scan3A_69 = %scan3A_47 to %scan3A_49 step %scan3A_50  : i32 {
      "tpu.region"() ({
        %run_scoped3A = tpu.sem_alloc : memref<!tpu.dma_semaphore, #tpu.memory_space<semaphore_mem>>
        %dma_start3A_70 = arith.constant 0 : i32
        %dma_start3A_71 = tpu.memref_slice %arg6[%scan3A_69, %dma_start3A_70] : memref<80x128xi32, #tpu.memory_space<vmem>> -> memref<1x128xi32, #tpu.memory_space<vmem>>
        %dma_start3A_72 = tpu.memref_squeeze %dma_start3A_71 : memref<1x128xi32, #tpu.memory_space<vmem>> -> memref<128xi32, #tpu.memory_space<vmem>>
        %dma_start3A_73 = arith.constant 0 : i32
        %dma_start3A_74 = arith.constant 0 : i32
        %dma_start3A_75 = tpu.memref_slice %arg8[%dma_start3A_73, %dma_start3A_74] : memref<10240x16xf32, #tpu.memory_space<vmem_shared>> -> memref<10240x16xf32, #tpu.memory_space<vmem_shared>>
        tpu.enqueue_indirect_dma source(%arg7 : memref<128x16xf32, #tpu.memory_space<vmem>>) target(%dma_start3A_75 : memref<10240x16xf32, #tpu.memory_space<vmem_shared>>) offsets(%dma_start3A_72 : memref<128xi32, #tpu.memory_space<vmem>>) semaphore(%run_scoped3A : memref<!tpu.dma_semaphore, #tpu.memory_space<semaphore_mem>>) {add = true}
        %dma_wait3A_76 = arith.constant 0 : i32
        %dma_wait3A_77 = tpu.memref_slice %arg6[%scan3A_69, %dma_wait3A_76] : memref<80x128xi32, #tpu.memory_space<vmem>> -> memref<1x128xi32, #tpu.memory_space<vmem>>
        %dma_wait3A_78 = tpu.memref_squeeze %dma_wait3A_77 : memref<1x128xi32, #tpu.memory_space<vmem>> -> memref<128xi32, #tpu.memory_space<vmem>>
        %dma_wait3A_79 = arith.constant 0 : i32
        %dma_wait3A_80 = arith.constant 0 : i32
        %dma_wait3A_81 = tpu.memref_slice %arg8[%dma_wait3A_79, %dma_wait3A_80] : memref<10240x16xf32, #tpu.memory_space<vmem_shared>> -> memref<10240x16xf32, #tpu.memory_space<vmem_shared>>
        tpu.wait_indirect_dma semaphore(%run_scoped3A : memref<!tpu.dma_semaphore, #tpu.memory_space<semaphore_mem>>) src(%arg7 : memref<128x16xf32, #tpu.memory_space<vmem>>) dst(%dma_wait3A_81 : memref<10240x16xf32, #tpu.memory_space<vmem_shared>>)
        tpu.yield
      }) : () -> ()
    }
    %scan3A_51 = arith.constant 80 : i32
    %barrier3A_52 = arith.constant 0 : index
    tpu.barrier barrier_id(%barrier3A_52)
    %dma_start3A_53 = arith.constant 0 : i32
    %dma_start3A_54 = arith.constant 0 : i32
    %dma_start3A_55 = tpu.memref_slice %arg5[%arg0, %dma_start3A_53, %dma_start3A_54] : memref<2x10240x16xf32, #tpu.memory_space<hbm>> -> memref<1x10240x16xf32, #tpu.memory_space<hbm>>
    %dma_start3A_56 = tpu.memref_squeeze %dma_start3A_55 : memref<1x10240x16xf32, #tpu.memory_space<hbm>> -> memref<10240x16xf32, #tpu.memory_space<hbm>>
    %dma_start3A_57 = arith.constant 0 : i32
    %dma_start3A_58 = tpu.memref_slice %dma_start3A_56[%mul3A_2, %dma_start3A_57] : memref<10240x16xf32, #tpu.memory_space<hbm>> -> memref<640x16xf32, #tpu.memory_space<hbm>>
    %dma_start3A_59 = arith.constant 0 : i32
    %dma_start3A_60 = tpu.memref_slice %arg8[%mul3A_2, %dma_start3A_59] : memref<10240x16xf32, #tpu.memory_space<vmem_shared>> -> memref<640x16xf32, #tpu.memory_space<vmem_shared>>
    tpu.enqueue_dma source(%dma_start3A_60 : memref<640x16xf32, #tpu.memory_space<vmem_shared>>) target(%dma_start3A_58 : memref<640x16xf32, #tpu.memory_space<hbm>>) target_semaphore(%arg9 : memref<!tpu.dma_semaphore, #tpu.memory_space<semaphore_mem>>)
    %dma_wait3A_61 = arith.constant 0 : i32
    %dma_wait3A_62 = arith.constant 0 : i32
    %dma_wait3A_63 = tpu.memref_slice %arg5[%arg0, %dma_wait3A_61, %dma_wait3A_62] : memref<2x10240x16xf32, #tpu.memory_space<hbm>> -> memref<1x10240x16xf32, #tpu.memory_space<hbm>>
    %dma_wait3A_64 = tpu.memref_squeeze %dma_wait3A_63 : memref<1x10240x16xf32, #tpu.memory_space<hbm>> -> memref<10240x16xf32, #tpu.memory_space<hbm>>
    %dma_wait3A_65 = arith.constant 0 : i32
    %dma_wait3A_66 = tpu.memref_slice %dma_wait3A_64[%mul3A_2, %dma_wait3A_65] : memref<10240x16xf32, #tpu.memory_space<hbm>> -> memref<640x16xf32, #tpu.memory_space<hbm>>
    %dma_wait3A_67 = arith.constant 0 : i32
    %dma_wait3A_68 = tpu.memref_slice %arg8[%mul3A_2, %dma_wait3A_67] : memref<10240x16xf32, #tpu.memory_space<vmem_shared>> -> memref<640x16xf32, #tpu.memory_space<vmem_shared>>
    tpu.wait_dma2 semaphore(%arg9 : memref<!tpu.dma_semaphore, #tpu.memory_space<semaphore_mem>>) src(%dma_wait3A_68 : memref<640x16xf32, #tpu.memory_space<vmem_shared>>) dst(%dma_wait3A_66 : memref<640x16xf32, #tpu.memory_space<hbm>>)
    return
  }
}

#map = affine_map<(d0, d1) -> (0, 0)>
#map1 = affine_map<(d0, d1) -> (0, 0, 0)>
module attributes {stable_mosaic.version = 14 : i64} {
  func.func @_agg_body(%arg0: i32, %arg1: i32, %arg2: memref<10240x128xf32, #tpu.memory_space<hbm>>, %arg3: memref<32x80x128xi32, #tpu.memory_space<hbm>>, %arg4: memref<32x80x128xi32, #tpu.memory_space<hbm>>, %arg5: memref<128x128xf32, #tpu.memory_space<hbm>>, %arg6: memref<2x10240x128xf32, #tpu.memory_space<hbm>>, %arg7: memref<40x128xi32, #tpu.memory_space<vmem>>, %arg8: memref<40x128xi32, #tpu.memory_space<vmem>>, %arg9: memref<128x128xf32, #tpu.memory_space<vmem>>, %arg10: memref<128x128xf32, #tpu.memory_space<vmem>>, %arg11: memref<10240x128xf32, #tpu.memory_space<vmem_shared>>, %arg12: memref<!tpu.dma_semaphore, #tpu.memory_space<semaphore_mem>>, %arg13: memref<!tpu.dma_semaphore, #tpu.memory_space<semaphore_mem>>) attributes {dimension_semantics = [#tpu.dimension_semantics<core_parallel>, #tpu.dimension_semantics<subcore_parallel>], iteration_bounds = array<i64: 2, 16>, scalar_prefetch = 0 : i64, scratch_operands = 7 : i64, tpu.core_type = #tpu.core_type<sc_vector_subcore>, window_params = [{transform_indices = #map}, {transform_indices = #map1}, {transform_indices = #map1}, {transform_indices = #map}, {transform_indices = #map1}]} {
    %mul3A = arith.constant 2 : i32
    %mul3A_0 = arith.muli %arg1, %mul3A : i32
    %add3A = arith.addi %mul3A_0, %arg0 : i32
    %mul3A_1 = arith.constant 640 : i32
    %mul3A_2 = arith.muli %arg1, %mul3A_1 : i32
    %add3A_3 = arith.constant 0 : i32
    %add3A_4 = arith.addi %mul3A_2, %add3A_3 : i32
    %dma_start3A = arith.constant 0 : i32
    %dma_start3A_5 = tpu.memref_slice %arg11[%add3A_4, %dma_start3A] : memref<10240x128xf32, #tpu.memory_space<vmem_shared>> -> memref<128x128xf32, #tpu.memory_space<vmem_shared>>
    tpu.enqueue_dma source(%arg5 : memref<128x128xf32, #tpu.memory_space<hbm>>) target(%dma_start3A_5 : memref<128x128xf32, #tpu.memory_space<vmem_shared>>) target_semaphore(%arg12 : memref<!tpu.dma_semaphore, #tpu.memory_space<semaphore_mem>>)
    %dma_wait3A = arith.constant 0 : i32
    %dma_wait3A_6 = tpu.memref_slice %arg11[%add3A_4, %dma_wait3A] : memref<10240x128xf32, #tpu.memory_space<vmem_shared>> -> memref<128x128xf32, #tpu.memory_space<vmem_shared>>
    tpu.wait_dma2 semaphore(%arg12 : memref<!tpu.dma_semaphore, #tpu.memory_space<semaphore_mem>>) src(%arg5 : memref<128x128xf32, #tpu.memory_space<hbm>>) dst(%dma_wait3A_6 : memref<128x128xf32, #tpu.memory_space<vmem_shared>>)
    %add3A_7 = arith.constant 128 : i32
    %add3A_8 = arith.addi %mul3A_2, %add3A_7 : i32
    %dma_start3A_9 = arith.constant 0 : i32
    %dma_start3A_10 = tpu.memref_slice %arg11[%add3A_8, %dma_start3A_9] : memref<10240x128xf32, #tpu.memory_space<vmem_shared>> -> memref<128x128xf32, #tpu.memory_space<vmem_shared>>
    tpu.enqueue_dma source(%arg5 : memref<128x128xf32, #tpu.memory_space<hbm>>) target(%dma_start3A_10 : memref<128x128xf32, #tpu.memory_space<vmem_shared>>) target_semaphore(%arg12 : memref<!tpu.dma_semaphore, #tpu.memory_space<semaphore_mem>>)
    %dma_wait3A_11 = arith.constant 0 : i32
    %dma_wait3A_12 = tpu.memref_slice %arg11[%add3A_8, %dma_wait3A_11] : memref<10240x128xf32, #tpu.memory_space<vmem_shared>> -> memref<128x128xf32, #tpu.memory_space<vmem_shared>>
    tpu.wait_dma2 semaphore(%arg12 : memref<!tpu.dma_semaphore, #tpu.memory_space<semaphore_mem>>) src(%arg5 : memref<128x128xf32, #tpu.memory_space<hbm>>) dst(%dma_wait3A_12 : memref<128x128xf32, #tpu.memory_space<vmem_shared>>)
    %add3A_13 = arith.constant 256 : i32
    %add3A_14 = arith.addi %mul3A_2, %add3A_13 : i32
    %dma_start3A_15 = arith.constant 0 : i32
    %dma_start3A_16 = tpu.memref_slice %arg11[%add3A_14, %dma_start3A_15] : memref<10240x128xf32, #tpu.memory_space<vmem_shared>> -> memref<128x128xf32, #tpu.memory_space<vmem_shared>>
    tpu.enqueue_dma source(%arg5 : memref<128x128xf32, #tpu.memory_space<hbm>>) target(%dma_start3A_16 : memref<128x128xf32, #tpu.memory_space<vmem_shared>>) target_semaphore(%arg12 : memref<!tpu.dma_semaphore, #tpu.memory_space<semaphore_mem>>)
    %dma_wait3A_17 = arith.constant 0 : i32
    %dma_wait3A_18 = tpu.memref_slice %arg11[%add3A_14, %dma_wait3A_17] : memref<10240x128xf32, #tpu.memory_space<vmem_shared>> -> memref<128x128xf32, #tpu.memory_space<vmem_shared>>
    tpu.wait_dma2 semaphore(%arg12 : memref<!tpu.dma_semaphore, #tpu.memory_space<semaphore_mem>>) src(%arg5 : memref<128x128xf32, #tpu.memory_space<hbm>>) dst(%dma_wait3A_18 : memref<128x128xf32, #tpu.memory_space<vmem_shared>>)
    %add3A_19 = arith.constant 384 : i32
    %add3A_20 = arith.addi %mul3A_2, %add3A_19 : i32
    %dma_start3A_21 = arith.constant 0 : i32
    %dma_start3A_22 = tpu.memref_slice %arg11[%add3A_20, %dma_start3A_21] : memref<10240x128xf32, #tpu.memory_space<vmem_shared>> -> memref<128x128xf32, #tpu.memory_space<vmem_shared>>
    tpu.enqueue_dma source(%arg5 : memref<128x128xf32, #tpu.memory_space<hbm>>) target(%dma_start3A_22 : memref<128x128xf32, #tpu.memory_space<vmem_shared>>) target_semaphore(%arg12 : memref<!tpu.dma_semaphore, #tpu.memory_space<semaphore_mem>>)
    %dma_wait3A_23 = arith.constant 0 : i32
    %dma_wait3A_24 = tpu.memref_slice %arg11[%add3A_20, %dma_wait3A_23] : memref<10240x128xf32, #tpu.memory_space<vmem_shared>> -> memref<128x128xf32, #tpu.memory_space<vmem_shared>>
    tpu.wait_dma2 semaphore(%arg12 : memref<!tpu.dma_semaphore, #tpu.memory_space<semaphore_mem>>) src(%arg5 : memref<128x128xf32, #tpu.memory_space<hbm>>) dst(%dma_wait3A_24 : memref<128x128xf32, #tpu.memory_space<vmem_shared>>)
    %add3A_25 = arith.constant 512 : i32
    %add3A_26 = arith.addi %mul3A_2, %add3A_25 : i32
    %dma_start3A_27 = arith.constant 0 : i32
    %dma_start3A_28 = tpu.memref_slice %arg11[%add3A_26, %dma_start3A_27] : memref<10240x128xf32, #tpu.memory_space<vmem_shared>> -> memref<128x128xf32, #tpu.memory_space<vmem_shared>>
    tpu.enqueue_dma source(%arg5 : memref<128x128xf32, #tpu.memory_space<hbm>>) target(%dma_start3A_28 : memref<128x128xf32, #tpu.memory_space<vmem_shared>>) target_semaphore(%arg12 : memref<!tpu.dma_semaphore, #tpu.memory_space<semaphore_mem>>)
    %dma_wait3A_29 = arith.constant 0 : i32
    %dma_wait3A_30 = tpu.memref_slice %arg11[%add3A_26, %dma_wait3A_29] : memref<10240x128xf32, #tpu.memory_space<vmem_shared>> -> memref<128x128xf32, #tpu.memory_space<vmem_shared>>
    tpu.wait_dma2 semaphore(%arg12 : memref<!tpu.dma_semaphore, #tpu.memory_space<semaphore_mem>>) src(%arg5 : memref<128x128xf32, #tpu.memory_space<hbm>>) dst(%dma_wait3A_30 : memref<128x128xf32, #tpu.memory_space<vmem_shared>>)
    %barrier3A = arith.constant 0 : index
    tpu.barrier barrier_id(%barrier3A)
    %dma_start3A_31 = arith.constant 0 : i32
    %dma_start3A_32 = arith.constant 0 : i32
    %dma_start3A_33 = tpu.memref_slice %arg3[%add3A, %dma_start3A_31, %dma_start3A_32] : memref<32x80x128xi32, #tpu.memory_space<hbm>> -> memref<1x80x128xi32, #tpu.memory_space<hbm>>
    %dma_start3A_34 = tpu.memref_squeeze %dma_start3A_33 : memref<1x80x128xi32, #tpu.memory_space<hbm>> -> memref<80x128xi32, #tpu.memory_space<hbm>>
    %dma_start3A_35 = arith.constant 0 : i32
    %dma_start3A_36 = arith.constant 0 : i32
    %dma_start3A_37 = tpu.memref_slice %dma_start3A_34[%dma_start3A_35, %dma_start3A_36] : memref<80x128xi32, #tpu.memory_space<hbm>> -> memref<40x128xi32, #tpu.memory_space<hbm>>
    %dma_start3A_38 = arith.constant 0 : i32
    %dma_start3A_39 = arith.constant 0 : i32
    %dma_start3A_40 = tpu.memref_slice %arg3[%add3A, %dma_start3A_38, %dma_start3A_39] : memref<32x80x128xi32, #tpu.memory_space<hbm>> -> memref<1x80x128xi32, #tpu.memory_space<hbm>>
    %dma_start3A_41 = tpu.memref_squeeze %dma_start3A_40 : memref<1x80x128xi32, #tpu.memory_space<hbm>> -> memref<80x128xi32, #tpu.memory_space<hbm>>
    %dma_start3A_42 = arith.constant 0 : i32
    %dma_start3A_43 = arith.constant 0 : i32
    %dma_start3A_44 = tpu.memref_slice %dma_start3A_41[%dma_start3A_42, %dma_start3A_43] : memref<80x128xi32, #tpu.memory_space<hbm>> -> memref<40x128xi32, #tpu.memory_space<hbm>>
    tpu.enqueue_dma source(%dma_start3A_44 : memref<40x128xi32, #tpu.memory_space<hbm>>) target(%arg7 : memref<40x128xi32, #tpu.memory_space<vmem>>) target_semaphore(%arg12 : memref<!tpu.dma_semaphore, #tpu.memory_space<semaphore_mem>>)
    %dma_wait3A_45 = arith.constant 0 : i32
    %dma_wait3A_46 = arith.constant 0 : i32
    %dma_wait3A_47 = tpu.memref_slice %arg3[%add3A, %dma_wait3A_45, %dma_wait3A_46] : memref<32x80x128xi32, #tpu.memory_space<hbm>> -> memref<1x80x128xi32, #tpu.memory_space<hbm>>
    %dma_wait3A_48 = tpu.memref_squeeze %dma_wait3A_47 : memref<1x80x128xi32, #tpu.memory_space<hbm>> -> memref<80x128xi32, #tpu.memory_space<hbm>>
    %dma_wait3A_49 = arith.constant 0 : i32
    %dma_wait3A_50 = arith.constant 0 : i32
    %dma_wait3A_51 = tpu.memref_slice %dma_wait3A_48[%dma_wait3A_49, %dma_wait3A_50] : memref<80x128xi32, #tpu.memory_space<hbm>> -> memref<40x128xi32, #tpu.memory_space<hbm>>
    %dma_wait3A_52 = arith.constant 0 : i32
    %dma_wait3A_53 = arith.constant 0 : i32
    %dma_wait3A_54 = tpu.memref_slice %arg3[%add3A, %dma_wait3A_52, %dma_wait3A_53] : memref<32x80x128xi32, #tpu.memory_space<hbm>> -> memref<1x80x128xi32, #tpu.memory_space<hbm>>
    %dma_wait3A_55 = tpu.memref_squeeze %dma_wait3A_54 : memref<1x80x128xi32, #tpu.memory_space<hbm>> -> memref<80x128xi32, #tpu.memory_space<hbm>>
    %dma_wait3A_56 = arith.constant 0 : i32
    %dma_wait3A_57 = arith.constant 0 : i32
    %dma_wait3A_58 = tpu.memref_slice %dma_wait3A_55[%dma_wait3A_56, %dma_wait3A_57] : memref<80x128xi32, #tpu.memory_space<hbm>> -> memref<40x128xi32, #tpu.memory_space<hbm>>
    tpu.wait_dma2 semaphore(%arg12 : memref<!tpu.dma_semaphore, #tpu.memory_space<semaphore_mem>>) src(%dma_wait3A_58 : memref<40x128xi32, #tpu.memory_space<hbm>>) dst(%arg7 : memref<40x128xi32, #tpu.memory_space<vmem>>)
    %dma_start3A_59 = arith.constant 0 : i32
    %dma_start3A_60 = arith.constant 0 : i32
    %dma_start3A_61 = tpu.memref_slice %arg4[%add3A, %dma_start3A_59, %dma_start3A_60] : memref<32x80x128xi32, #tpu.memory_space<hbm>> -> memref<1x80x128xi32, #tpu.memory_space<hbm>>
    %dma_start3A_62 = tpu.memref_squeeze %dma_start3A_61 : memref<1x80x128xi32, #tpu.memory_space<hbm>> -> memref<80x128xi32, #tpu.memory_space<hbm>>
    %dma_start3A_63 = arith.constant 0 : i32
    %dma_start3A_64 = arith.constant 0 : i32
    %dma_start3A_65 = tpu.memref_slice %dma_start3A_62[%dma_start3A_63, %dma_start3A_64] : memref<80x128xi32, #tpu.memory_space<hbm>> -> memref<40x128xi32, #tpu.memory_space<hbm>>
    %dma_start3A_66 = arith.constant 0 : i32
    %dma_start3A_67 = arith.constant 0 : i32
    %dma_start3A_68 = tpu.memref_slice %arg4[%add3A, %dma_start3A_66, %dma_start3A_67] : memref<32x80x128xi32, #tpu.memory_space<hbm>> -> memref<1x80x128xi32, #tpu.memory_space<hbm>>
    %dma_start3A_69 = tpu.memref_squeeze %dma_start3A_68 : memref<1x80x128xi32, #tpu.memory_space<hbm>> -> memref<80x128xi32, #tpu.memory_space<hbm>>
    %dma_start3A_70 = arith.constant 0 : i32
    %dma_start3A_71 = arith.constant 0 : i32
    %dma_start3A_72 = tpu.memref_slice %dma_start3A_69[%dma_start3A_70, %dma_start3A_71] : memref<80x128xi32, #tpu.memory_space<hbm>> -> memref<40x128xi32, #tpu.memory_space<hbm>>
    tpu.enqueue_dma source(%dma_start3A_72 : memref<40x128xi32, #tpu.memory_space<hbm>>) target(%arg8 : memref<40x128xi32, #tpu.memory_space<vmem>>) target_semaphore(%arg12 : memref<!tpu.dma_semaphore, #tpu.memory_space<semaphore_mem>>)
    %dma_wait3A_73 = arith.constant 0 : i32
    %dma_wait3A_74 = arith.constant 0 : i32
    %dma_wait3A_75 = tpu.memref_slice %arg4[%add3A, %dma_wait3A_73, %dma_wait3A_74] : memref<32x80x128xi32, #tpu.memory_space<hbm>> -> memref<1x80x128xi32, #tpu.memory_space<hbm>>
    %dma_wait3A_76 = tpu.memref_squeeze %dma_wait3A_75 : memref<1x80x128xi32, #tpu.memory_space<hbm>> -> memref<80x128xi32, #tpu.memory_space<hbm>>
    %dma_wait3A_77 = arith.constant 0 : i32
    %dma_wait3A_78 = arith.constant 0 : i32
    %dma_wait3A_79 = tpu.memref_slice %dma_wait3A_76[%dma_wait3A_77, %dma_wait3A_78] : memref<80x128xi32, #tpu.memory_space<hbm>> -> memref<40x128xi32, #tpu.memory_space<hbm>>
    %dma_wait3A_80 = arith.constant 0 : i32
    %dma_wait3A_81 = arith.constant 0 : i32
    %dma_wait3A_82 = tpu.memref_slice %arg4[%add3A, %dma_wait3A_80, %dma_wait3A_81] : memref<32x80x128xi32, #tpu.memory_space<hbm>> -> memref<1x80x128xi32, #tpu.memory_space<hbm>>
    %dma_wait3A_83 = tpu.memref_squeeze %dma_wait3A_82 : memref<1x80x128xi32, #tpu.memory_space<hbm>> -> memref<80x128xi32, #tpu.memory_space<hbm>>
    %dma_wait3A_84 = arith.constant 0 : i32
    %dma_wait3A_85 = arith.constant 0 : i32
    %dma_wait3A_86 = tpu.memref_slice %dma_wait3A_83[%dma_wait3A_84, %dma_wait3A_85] : memref<80x128xi32, #tpu.memory_space<hbm>> -> memref<40x128xi32, #tpu.memory_space<hbm>>
    tpu.wait_dma2 semaphore(%arg12 : memref<!tpu.dma_semaphore, #tpu.memory_space<semaphore_mem>>) src(%dma_wait3A_86 : memref<40x128xi32, #tpu.memory_space<hbm>>) dst(%arg8 : memref<40x128xi32, #tpu.memory_space<vmem>>)
    %dma_start3A_87 = arith.constant 0 : i32
    %dma_start3A_88 = arith.constant 0 : i32
    %dma_start3A_89 = tpu.memref_slice %arg7[%dma_start3A_87, %dma_start3A_88] : memref<40x128xi32, #tpu.memory_space<vmem>> -> memref<1x128xi32, #tpu.memory_space<vmem>>
    %dma_start3A_90 = tpu.memref_squeeze %dma_start3A_89 : memref<1x128xi32, #tpu.memory_space<vmem>> -> memref<128xi32, #tpu.memory_space<vmem>>
    %dma_start3A_91 = arith.constant 0 : i32
    %dma_start3A_92 = arith.constant 0 : i32
    %dma_start3A_93 = tpu.memref_slice %arg2[%dma_start3A_91, %dma_start3A_92] : memref<10240x128xf32, #tpu.memory_space<hbm>> -> memref<10240x128xf32, #tpu.memory_space<hbm>>
    tpu.enqueue_indirect_dma source(%dma_start3A_93 : memref<10240x128xf32, #tpu.memory_space<hbm>>) target(%arg9 : memref<128x128xf32, #tpu.memory_space<vmem>>) offsets(%dma_start3A_90 : memref<128xi32, #tpu.memory_space<vmem>>) semaphore(%arg12 : memref<!tpu.dma_semaphore, #tpu.memory_space<semaphore_mem>>)
    %scan3A = arith.constant 0 : i32
    %scan3A_94 = arith.constant 0 : i32
    %scan3A_95 = arith.constant 20 : i32
    %scan3A_96 = arith.addi %scan3A_94, %scan3A_95 : i32
    %scan3A_97 = arith.constant 1 : i32
    scf.for %scan3A_185 = %scan3A_94 to %scan3A_96 step %scan3A_97  : i32 {
      %mul3A_186 = arith.constant 2 : i32
      %mul3A_187 = arith.muli %mul3A_186, %scan3A_185 : i32
      %add3A_188 = arith.constant 1 : i32
      %add3A_189 = arith.addi %mul3A_187, %add3A_188 : i32
      %dma_wait3A_190 = arith.constant 0 : i32
      %dma_wait3A_191 = arith.constant 0 : i32
      %dma_wait3A_192 = tpu.memref_slice %arg2[%dma_wait3A_190, %dma_wait3A_191] : memref<10240x128xf32, #tpu.memory_space<hbm>> -> memref<128x128xf32, #tpu.memory_space<hbm>>
      %dma_wait3A_193 = arith.constant 0 : i32
      %dma_wait3A_194 = arith.constant 0 : i32
      %dma_wait3A_195 = tpu.memref_slice %arg2[%dma_wait3A_193, %dma_wait3A_194] : memref<10240x128xf32, #tpu.memory_space<hbm>> -> memref<128x128xf32, #tpu.memory_space<hbm>>
      tpu.wait_dma2 semaphore(%arg12 : memref<!tpu.dma_semaphore, #tpu.memory_space<semaphore_mem>>) src(%dma_wait3A_195 : memref<128x128xf32, #tpu.memory_space<hbm>>) dst(%arg9 : memref<128x128xf32, #tpu.memory_space<vmem>>)
      %dma_start3A_196 = arith.constant 0 : i32
      %dma_start3A_197 = tpu.memref_slice %arg7[%add3A_189, %dma_start3A_196] : memref<40x128xi32, #tpu.memory_space<vmem>> -> memref<1x128xi32, #tpu.memory_space<vmem>>
      %dma_start3A_198 = tpu.memref_squeeze %dma_start3A_197 : memref<1x128xi32, #tpu.memory_space<vmem>> -> memref<128xi32, #tpu.memory_space<vmem>>
      %dma_start3A_199 = arith.constant 0 : i32
      %dma_start3A_200 = arith.constant 0 : i32
      %dma_start3A_201 = tpu.memref_slice %arg2[%dma_start3A_199, %dma_start3A_200] : memref<10240x128xf32, #tpu.memory_space<hbm>> -> memref<10240x128xf32, #tpu.memory_space<hbm>>
      tpu.enqueue_indirect_dma source(%dma_start3A_201 : memref<10240x128xf32, #tpu.memory_space<hbm>>) target(%arg10 : memref<128x128xf32, #tpu.memory_space<vmem>>) offsets(%dma_start3A_198 : memref<128xi32, #tpu.memory_space<vmem>>) semaphore(%arg12 : memref<!tpu.dma_semaphore, #tpu.memory_space<semaphore_mem>>)
      "tpu.region"() ({
        %run_scoped3A = tpu.sem_alloc : memref<!tpu.dma_semaphore, #tpu.memory_space<semaphore_mem>>
        %dma_start3A_212 = arith.constant 0 : i32
        %dma_start3A_213 = tpu.memref_slice %arg8[%mul3A_187, %dma_start3A_212] : memref<40x128xi32, #tpu.memory_space<vmem>> -> memref<1x128xi32, #tpu.memory_space<vmem>>
        %dma_start3A_214 = tpu.memref_squeeze %dma_start3A_213 : memref<1x128xi32, #tpu.memory_space<vmem>> -> memref<128xi32, #tpu.memory_space<vmem>>
        %dma_start3A_215 = arith.constant 0 : i32
        %dma_start3A_216 = arith.constant 0 : i32
        %dma_start3A_217 = tpu.memref_slice %arg11[%dma_start3A_215, %dma_start3A_216] : memref<10240x128xf32, #tpu.memory_space<vmem_shared>> -> memref<10240x128xf32, #tpu.memory_space<vmem_shared>>
        tpu.enqueue_indirect_dma source(%arg9 : memref<128x128xf32, #tpu.memory_space<vmem>>) target(%dma_start3A_217 : memref<10240x128xf32, #tpu.memory_space<vmem_shared>>) offsets(%dma_start3A_214 : memref<128xi32, #tpu.memory_space<vmem>>) semaphore(%run_scoped3A : memref<!tpu.dma_semaphore, #tpu.memory_space<semaphore_mem>>) {add = true}
        %dma_wait3A_218 = arith.constant 0 : i32
        %dma_wait3A_219 = tpu.memref_slice %arg8[%mul3A_187, %dma_wait3A_218] : memref<40x128xi32, #tpu.memory_space<vmem>> -> memref<1x128xi32, #tpu.memory_space<vmem>>
        %dma_wait3A_220 = tpu.memref_squeeze %dma_wait3A_219 : memref<1x128xi32, #tpu.memory_space<vmem>> -> memref<128xi32, #tpu.memory_space<vmem>>
        %dma_wait3A_221 = arith.constant 0 : i32
        %dma_wait3A_222 = arith.constant 0 : i32
        %dma_wait3A_223 = tpu.memref_slice %arg11[%dma_wait3A_221, %dma_wait3A_222] : memref<10240x128xf32, #tpu.memory_space<vmem_shared>> -> memref<10240x128xf32, #tpu.memory_space<vmem_shared>>
        tpu.wait_indirect_dma semaphore(%run_scoped3A : memref<!tpu.dma_semaphore, #tpu.memory_space<semaphore_mem>>) src(%arg9 : memref<128x128xf32, #tpu.memory_space<vmem>>) dst(%dma_wait3A_223 : memref<10240x128xf32, #tpu.memory_space<vmem_shared>>)
        tpu.yield
      }) : () -> ()
      %dma_wait3A_202 = arith.constant 0 : i32
      %dma_wait3A_203 = arith.constant 0 : i32
      %dma_wait3A_204 = tpu.memref_slice %arg2[%dma_wait3A_202, %dma_wait3A_203] : memref<10240x128xf32, #tpu.memory_space<hbm>> -> memref<128x128xf32, #tpu.memory_space<hbm>>
      %dma_wait3A_205 = arith.constant 0 : i32
      %dma_wait3A_206 = arith.constant 0 : i32
      %dma_wait3A_207 = tpu.memref_slice %arg2[%dma_wait3A_205, %dma_wait3A_206] : memref<10240x128xf32, #tpu.memory_space<hbm>> -> memref<128x128xf32, #tpu.memory_space<hbm>>
      tpu.wait_dma2 semaphore(%arg12 : memref<!tpu.dma_semaphore, #tpu.memory_space<semaphore_mem>>) src(%dma_wait3A_207 : memref<128x128xf32, #tpu.memory_space<hbm>>) dst(%arg9 : memref<128x128xf32, #tpu.memory_space<vmem>>)
      %add3A_208 = arith.constant 1 : i32
      %add3A_209 = arith.addi %add3A_189, %add3A_208 : i32
      %lt3A = arith.constant 40 : i32
      %lt3A_210 = arith.cmpi slt, %add3A_209, %lt3A : i32
      %convert_element_type3A = arith.extui %lt3A_210 : i1 to i32
      %cond3A = arith.constant 0 : i32
      %cond3A_211 = arith.cmpi ne, %convert_element_type3A, %cond3A : i32
      scf.if %cond3A_211 {
        %add3A_212 = arith.constant 1 : i32
        %add3A_213 = arith.addi %add3A_189, %add3A_212 : i32
        %dma_start3A_214 = arith.constant 0 : i32
        %dma_start3A_215 = tpu.memref_slice %arg7[%add3A_213, %dma_start3A_214] : memref<40x128xi32, #tpu.memory_space<vmem>> -> memref<1x128xi32, #tpu.memory_space<vmem>>
        %dma_start3A_216 = tpu.memref_squeeze %dma_start3A_215 : memref<1x128xi32, #tpu.memory_space<vmem>> -> memref<128xi32, #tpu.memory_space<vmem>>
        %dma_start3A_217 = arith.constant 0 : i32
        %dma_start3A_218 = arith.constant 0 : i32
        %dma_start3A_219 = tpu.memref_slice %arg2[%dma_start3A_217, %dma_start3A_218] : memref<10240x128xf32, #tpu.memory_space<hbm>> -> memref<10240x128xf32, #tpu.memory_space<hbm>>
        tpu.enqueue_indirect_dma source(%dma_start3A_219 : memref<10240x128xf32, #tpu.memory_space<hbm>>) target(%arg9 : memref<128x128xf32, #tpu.memory_space<vmem>>) offsets(%dma_start3A_216 : memref<128xi32, #tpu.memory_space<vmem>>) semaphore(%arg12 : memref<!tpu.dma_semaphore, #tpu.memory_space<semaphore_mem>>)
      } else {
      }
      "tpu.region"() ({
        %run_scoped3A = tpu.sem_alloc : memref<!tpu.dma_semaphore, #tpu.memory_space<semaphore_mem>>
        %dma_start3A_212 = arith.constant 0 : i32
        %dma_start3A_213 = tpu.memref_slice %arg8[%add3A_189, %dma_start3A_212] : memref<40x128xi32, #tpu.memory_space<vmem>> -> memref<1x128xi32, #tpu.memory_space<vmem>>
        %dma_start3A_214 = tpu.memref_squeeze %dma_start3A_213 : memref<1x128xi32, #tpu.memory_space<vmem>> -> memref<128xi32, #tpu.memory_space<vmem>>
        %dma_start3A_215 = arith.constant 0 : i32
        %dma_start3A_216 = arith.constant 0 : i32
        %dma_start3A_217 = tpu.memref_slice %arg11[%dma_start3A_215, %dma_start3A_216] : memref<10240x128xf32, #tpu.memory_space<vmem_shared>> -> memref<10240x128xf32, #tpu.memory_space<vmem_shared>>
        tpu.enqueue_indirect_dma source(%arg10 : memref<128x128xf32, #tpu.memory_space<vmem>>) target(%dma_start3A_217 : memref<10240x128xf32, #tpu.memory_space<vmem_shared>>) offsets(%dma_start3A_214 : memref<128xi32, #tpu.memory_space<vmem>>) semaphore(%run_scoped3A : memref<!tpu.dma_semaphore, #tpu.memory_space<semaphore_mem>>) {add = true}
        %dma_wait3A_218 = arith.constant 0 : i32
        %dma_wait3A_219 = tpu.memref_slice %arg8[%add3A_189, %dma_wait3A_218] : memref<40x128xi32, #tpu.memory_space<vmem>> -> memref<1x128xi32, #tpu.memory_space<vmem>>
        %dma_wait3A_220 = tpu.memref_squeeze %dma_wait3A_219 : memref<1x128xi32, #tpu.memory_space<vmem>> -> memref<128xi32, #tpu.memory_space<vmem>>
        %dma_wait3A_221 = arith.constant 0 : i32
        %dma_wait3A_222 = arith.constant 0 : i32
        %dma_wait3A_223 = tpu.memref_slice %arg11[%dma_wait3A_221, %dma_wait3A_222] : memref<10240x128xf32, #tpu.memory_space<vmem_shared>> -> memref<10240x128xf32, #tpu.memory_space<vmem_shared>>
        tpu.wait_indirect_dma semaphore(%run_scoped3A : memref<!tpu.dma_semaphore, #tpu.memory_space<semaphore_mem>>) src(%arg10 : memref<128x128xf32, #tpu.memory_space<vmem>>) dst(%dma_wait3A_223 : memref<10240x128xf32, #tpu.memory_space<vmem_shared>>)
        tpu.yield
      }) : () -> ()
    }
    %scan3A_98 = arith.constant 20 : i32
    %dma_start3A_99 = arith.constant 0 : i32
    %dma_start3A_100 = arith.constant 0 : i32
    %dma_start3A_101 = tpu.memref_slice %arg3[%add3A, %dma_start3A_99, %dma_start3A_100] : memref<32x80x128xi32, #tpu.memory_space<hbm>> -> memref<1x80x128xi32, #tpu.memory_space<hbm>>
    %dma_start3A_102 = tpu.memref_squeeze %dma_start3A_101 : memref<1x80x128xi32, #tpu.memory_space<hbm>> -> memref<80x128xi32, #tpu.memory_space<hbm>>
    %dma_start3A_103 = arith.constant 40 : i32
    %dma_start3A_104 = arith.constant 0 : i32
    %dma_start3A_105 = tpu.memref_slice %dma_start3A_102[%dma_start3A_103, %dma_start3A_104] : memref<80x128xi32, #tpu.memory_space<hbm>> -> memref<40x128xi32, #tpu.memory_space<hbm>>
    %dma_start3A_106 = arith.constant 0 : i32
    %dma_start3A_107 = arith.constant 0 : i32
    %dma_start3A_108 = tpu.memref_slice %arg3[%add3A, %dma_start3A_106, %dma_start3A_107] : memref<32x80x128xi32, #tpu.memory_space<hbm>> -> memref<1x80x128xi32, #tpu.memory_space<hbm>>
    %dma_start3A_109 = tpu.memref_squeeze %dma_start3A_108 : memref<1x80x128xi32, #tpu.memory_space<hbm>> -> memref<80x128xi32, #tpu.memory_space<hbm>>
    %dma_start3A_110 = arith.constant 40 : i32
    %dma_start3A_111 = arith.constant 0 : i32
    %dma_start3A_112 = tpu.memref_slice %dma_start3A_109[%dma_start3A_110, %dma_start3A_111] : memref<80x128xi32, #tpu.memory_space<hbm>> -> memref<40x128xi32, #tpu.memory_space<hbm>>
    tpu.enqueue_dma source(%dma_start3A_112 : memref<40x128xi32, #tpu.memory_space<hbm>>) target(%arg7 : memref<40x128xi32, #tpu.memory_space<vmem>>) target_semaphore(%arg12 : memref<!tpu.dma_semaphore, #tpu.memory_space<semaphore_mem>>)
    %dma_wait3A_113 = arith.constant 0 : i32
    %dma_wait3A_114 = arith.constant 0 : i32
    %dma_wait3A_115 = tpu.memref_slice %arg3[%add3A, %dma_wait3A_113, %dma_wait3A_114] : memref<32x80x128xi32, #tpu.memory_space<hbm>> -> memref<1x80x128xi32, #tpu.memory_space<hbm>>
    %dma_wait3A_116 = tpu.memref_squeeze %dma_wait3A_115 : memref<1x80x128xi32, #tpu.memory_space<hbm>> -> memref<80x128xi32, #tpu.memory_space<hbm>>
    %dma_wait3A_117 = arith.constant 40 : i32
    %dma_wait3A_118 = arith.constant 0 : i32
    %dma_wait3A_119 = tpu.memref_slice %dma_wait3A_116[%dma_wait3A_117, %dma_wait3A_118] : memref<80x128xi32, #tpu.memory_space<hbm>> -> memref<40x128xi32, #tpu.memory_space<hbm>>
    %dma_wait3A_120 = arith.constant 0 : i32
    %dma_wait3A_121 = arith.constant 0 : i32
    %dma_wait3A_122 = tpu.memref_slice %arg3[%add3A, %dma_wait3A_120, %dma_wait3A_121] : memref<32x80x128xi32, #tpu.memory_space<hbm>> -> memref<1x80x128xi32, #tpu.memory_space<hbm>>
    %dma_wait3A_123 = tpu.memref_squeeze %dma_wait3A_122 : memref<1x80x128xi32, #tpu.memory_space<hbm>> -> memref<80x128xi32, #tpu.memory_space<hbm>>
    %dma_wait3A_124 = arith.constant 40 : i32
    %dma_wait3A_125 = arith.constant 0 : i32
    %dma_wait3A_126 = tpu.memref_slice %dma_wait3A_123[%dma_wait3A_124, %dma_wait3A_125] : memref<80x128xi32, #tpu.memory_space<hbm>> -> memref<40x128xi32, #tpu.memory_space<hbm>>
    tpu.wait_dma2 semaphore(%arg12 : memref<!tpu.dma_semaphore, #tpu.memory_space<semaphore_mem>>) src(%dma_wait3A_126 : memref<40x128xi32, #tpu.memory_space<hbm>>) dst(%arg7 : memref<40x128xi32, #tpu.memory_space<vmem>>)
    %dma_start3A_127 = arith.constant 0 : i32
    %dma_start3A_128 = arith.constant 0 : i32
    %dma_start3A_129 = tpu.memref_slice %arg4[%add3A, %dma_start3A_127, %dma_start3A_128] : memref<32x80x128xi32, #tpu.memory_space<hbm>> -> memref<1x80x128xi32, #tpu.memory_space<hbm>>
    %dma_start3A_130 = tpu.memref_squeeze %dma_start3A_129 : memref<1x80x128xi32, #tpu.memory_space<hbm>> -> memref<80x128xi32, #tpu.memory_space<hbm>>
    %dma_start3A_131 = arith.constant 40 : i32
    %dma_start3A_132 = arith.constant 0 : i32
    %dma_start3A_133 = tpu.memref_slice %dma_start3A_130[%dma_start3A_131, %dma_start3A_132] : memref<80x128xi32, #tpu.memory_space<hbm>> -> memref<40x128xi32, #tpu.memory_space<hbm>>
    %dma_start3A_134 = arith.constant 0 : i32
    %dma_start3A_135 = arith.constant 0 : i32
    %dma_start3A_136 = tpu.memref_slice %arg4[%add3A, %dma_start3A_134, %dma_start3A_135] : memref<32x80x128xi32, #tpu.memory_space<hbm>> -> memref<1x80x128xi32, #tpu.memory_space<hbm>>
    %dma_start3A_137 = tpu.memref_squeeze %dma_start3A_136 : memref<1x80x128xi32, #tpu.memory_space<hbm>> -> memref<80x128xi32, #tpu.memory_space<hbm>>
    %dma_start3A_138 = arith.constant 40 : i32
    %dma_start3A_139 = arith.constant 0 : i32
    %dma_start3A_140 = tpu.memref_slice %dma_start3A_137[%dma_start3A_138, %dma_start3A_139] : memref<80x128xi32, #tpu.memory_space<hbm>> -> memref<40x128xi32, #tpu.memory_space<hbm>>
    tpu.enqueue_dma source(%dma_start3A_140 : memref<40x128xi32, #tpu.memory_space<hbm>>) target(%arg8 : memref<40x128xi32, #tpu.memory_space<vmem>>) target_semaphore(%arg12 : memref<!tpu.dma_semaphore, #tpu.memory_space<semaphore_mem>>)
    %dma_wait3A_141 = arith.constant 0 : i32
    %dma_wait3A_142 = arith.constant 0 : i32
    %dma_wait3A_143 = tpu.memref_slice %arg4[%add3A, %dma_wait3A_141, %dma_wait3A_142] : memref<32x80x128xi32, #tpu.memory_space<hbm>> -> memref<1x80x128xi32, #tpu.memory_space<hbm>>
    %dma_wait3A_144 = tpu.memref_squeeze %dma_wait3A_143 : memref<1x80x128xi32, #tpu.memory_space<hbm>> -> memref<80x128xi32, #tpu.memory_space<hbm>>
    %dma_wait3A_145 = arith.constant 40 : i32
    %dma_wait3A_146 = arith.constant 0 : i32
    %dma_wait3A_147 = tpu.memref_slice %dma_wait3A_144[%dma_wait3A_145, %dma_wait3A_146] : memref<80x128xi32, #tpu.memory_space<hbm>> -> memref<40x128xi32, #tpu.memory_space<hbm>>
    %dma_wait3A_148 = arith.constant 0 : i32
    %dma_wait3A_149 = arith.constant 0 : i32
    %dma_wait3A_150 = tpu.memref_slice %arg4[%add3A, %dma_wait3A_148, %dma_wait3A_149] : memref<32x80x128xi32, #tpu.memory_space<hbm>> -> memref<1x80x128xi32, #tpu.memory_space<hbm>>
    %dma_wait3A_151 = tpu.memref_squeeze %dma_wait3A_150 : memref<1x80x128xi32, #tpu.memory_space<hbm>> -> memref<80x128xi32, #tpu.memory_space<hbm>>
    %dma_wait3A_152 = arith.constant 40 : i32
    %dma_wait3A_153 = arith.constant 0 : i32
    %dma_wait3A_154 = tpu.memref_slice %dma_wait3A_151[%dma_wait3A_152, %dma_wait3A_153] : memref<80x128xi32, #tpu.memory_space<hbm>> -> memref<40x128xi32, #tpu.memory_space<hbm>>
    tpu.wait_dma2 semaphore(%arg12 : memref<!tpu.dma_semaphore, #tpu.memory_space<semaphore_mem>>) src(%dma_wait3A_154 : memref<40x128xi32, #tpu.memory_space<hbm>>) dst(%arg8 : memref<40x128xi32, #tpu.memory_space<vmem>>)
    %dma_start3A_155 = arith.constant 0 : i32
    %dma_start3A_156 = arith.constant 0 : i32
    %dma_start3A_157 = tpu.memref_slice %arg7[%dma_start3A_155, %dma_start3A_156] : memref<40x128xi32, #tpu.memory_space<vmem>> -> memref<1x128xi32, #tpu.memory_space<vmem>>
    %dma_start3A_158 = tpu.memref_squeeze %dma_start3A_157 : memref<1x128xi32, #tpu.memory_space<vmem>> -> memref<128xi32, #tpu.memory_space<vmem>>
    %dma_start3A_159 = arith.constant 0 : i32
    %dma_start3A_160 = arith.constant 0 : i32
    %dma_start3A_161 = tpu.memref_slice %arg2[%dma_start3A_159, %dma_start3A_160] : memref<10240x128xf32, #tpu.memory_space<hbm>> -> memref<10240x128xf32, #tpu.memory_space<hbm>>
    tpu.enqueue_indirect_dma source(%dma_start3A_161 : memref<10240x128xf32, #tpu.memory_space<hbm>>) target(%arg9 : memref<128x128xf32, #tpu.memory_space<vmem>>) offsets(%dma_start3A_158 : memref<128xi32, #tpu.memory_space<vmem>>) semaphore(%arg12 : memref<!tpu.dma_semaphore, #tpu.memory_space<semaphore_mem>>)
    %scan3A_162 = arith.constant 0 : i32
    %scan3A_163 = arith.constant 0 : i32
    %scan3A_164 = arith.constant 20 : i32
    %scan3A_165 = arith.addi %scan3A_163, %scan3A_164 : i32
    %scan3A_166 = arith.constant 1 : i32
    scf.for %scan3A_185 = %scan3A_163 to %scan3A_165 step %scan3A_166  : i32 {
      %mul3A_186 = arith.constant 2 : i32
      %mul3A_187 = arith.muli %mul3A_186, %scan3A_185 : i32
      %add3A_188 = arith.constant 1 : i32
      %add3A_189 = arith.addi %mul3A_187, %add3A_188 : i32
      %dma_wait3A_190 = arith.constant 0 : i32
      %dma_wait3A_191 = arith.constant 0 : i32
      %dma_wait3A_192 = tpu.memref_slice %arg2[%dma_wait3A_190, %dma_wait3A_191] : memref<10240x128xf32, #tpu.memory_space<hbm>> -> memref<128x128xf32, #tpu.memory_space<hbm>>
      %dma_wait3A_193 = arith.constant 0 : i32
      %dma_wait3A_194 = arith.constant 0 : i32
      %dma_wait3A_195 = tpu.memref_slice %arg2[%dma_wait3A_193, %dma_wait3A_194] : memref<10240x128xf32, #tpu.memory_space<hbm>> -> memref<128x128xf32, #tpu.memory_space<hbm>>
      tpu.wait_dma2 semaphore(%arg12 : memref<!tpu.dma_semaphore, #tpu.memory_space<semaphore_mem>>) src(%dma_wait3A_195 : memref<128x128xf32, #tpu.memory_space<hbm>>) dst(%arg9 : memref<128x128xf32, #tpu.memory_space<vmem>>)
      %dma_start3A_196 = arith.constant 0 : i32
      %dma_start3A_197 = tpu.memref_slice %arg7[%add3A_189, %dma_start3A_196] : memref<40x128xi32, #tpu.memory_space<vmem>> -> memref<1x128xi32, #tpu.memory_space<vmem>>
      %dma_start3A_198 = tpu.memref_squeeze %dma_start3A_197 : memref<1x128xi32, #tpu.memory_space<vmem>> -> memref<128xi32, #tpu.memory_space<vmem>>
      %dma_start3A_199 = arith.constant 0 : i32
      %dma_start3A_200 = arith.constant 0 : i32
      %dma_start3A_201 = tpu.memref_slice %arg2[%dma_start3A_199, %dma_start3A_200] : memref<10240x128xf32, #tpu.memory_space<hbm>> -> memref<10240x128xf32, #tpu.memory_space<hbm>>
      tpu.enqueue_indirect_dma source(%dma_start3A_201 : memref<10240x128xf32, #tpu.memory_space<hbm>>) target(%arg10 : memref<128x128xf32, #tpu.memory_space<vmem>>) offsets(%dma_start3A_198 : memref<128xi32, #tpu.memory_space<vmem>>) semaphore(%arg12 : memref<!tpu.dma_semaphore, #tpu.memory_space<semaphore_mem>>)
      "tpu.region"() ({
        %run_scoped3A = tpu.sem_alloc : memref<!tpu.dma_semaphore, #tpu.memory_space<semaphore_mem>>
        %dma_start3A_212 = arith.constant 0 : i32
        %dma_start3A_213 = tpu.memref_slice %arg8[%mul3A_187, %dma_start3A_212] : memref<40x128xi32, #tpu.memory_space<vmem>> -> memref<1x128xi32, #tpu.memory_space<vmem>>
        %dma_start3A_214 = tpu.memref_squeeze %dma_start3A_213 : memref<1x128xi32, #tpu.memory_space<vmem>> -> memref<128xi32, #tpu.memory_space<vmem>>
        %dma_start3A_215 = arith.constant 0 : i32
        %dma_start3A_216 = arith.constant 0 : i32
        %dma_start3A_217 = tpu.memref_slice %arg11[%dma_start3A_215, %dma_start3A_216] : memref<10240x128xf32, #tpu.memory_space<vmem_shared>> -> memref<10240x128xf32, #tpu.memory_space<vmem_shared>>
        tpu.enqueue_indirect_dma source(%arg9 : memref<128x128xf32, #tpu.memory_space<vmem>>) target(%dma_start3A_217 : memref<10240x128xf32, #tpu.memory_space<vmem_shared>>) offsets(%dma_start3A_214 : memref<128xi32, #tpu.memory_space<vmem>>) semaphore(%run_scoped3A : memref<!tpu.dma_semaphore, #tpu.memory_space<semaphore_mem>>) {add = true}
        %dma_wait3A_218 = arith.constant 0 : i32
        %dma_wait3A_219 = tpu.memref_slice %arg8[%mul3A_187, %dma_wait3A_218] : memref<40x128xi32, #tpu.memory_space<vmem>> -> memref<1x128xi32, #tpu.memory_space<vmem>>
        %dma_wait3A_220 = tpu.memref_squeeze %dma_wait3A_219 : memref<1x128xi32, #tpu.memory_space<vmem>> -> memref<128xi32, #tpu.memory_space<vmem>>
        %dma_wait3A_221 = arith.constant 0 : i32
        %dma_wait3A_222 = arith.constant 0 : i32
        %dma_wait3A_223 = tpu.memref_slice %arg11[%dma_wait3A_221, %dma_wait3A_222] : memref<10240x128xf32, #tpu.memory_space<vmem_shared>> -> memref<10240x128xf32, #tpu.memory_space<vmem_shared>>
        tpu.wait_indirect_dma semaphore(%run_scoped3A : memref<!tpu.dma_semaphore, #tpu.memory_space<semaphore_mem>>) src(%arg9 : memref<128x128xf32, #tpu.memory_space<vmem>>) dst(%dma_wait3A_223 : memref<10240x128xf32, #tpu.memory_space<vmem_shared>>)
        tpu.yield
      }) : () -> ()
      %dma_wait3A_202 = arith.constant 0 : i32
      %dma_wait3A_203 = arith.constant 0 : i32
      %dma_wait3A_204 = tpu.memref_slice %arg2[%dma_wait3A_202, %dma_wait3A_203] : memref<10240x128xf32, #tpu.memory_space<hbm>> -> memref<128x128xf32, #tpu.memory_space<hbm>>
      %dma_wait3A_205 = arith.constant 0 : i32
      %dma_wait3A_206 = arith.constant 0 : i32
      %dma_wait3A_207 = tpu.memref_slice %arg2[%dma_wait3A_205, %dma_wait3A_206] : memref<10240x128xf32, #tpu.memory_space<hbm>> -> memref<128x128xf32, #tpu.memory_space<hbm>>
      tpu.wait_dma2 semaphore(%arg12 : memref<!tpu.dma_semaphore, #tpu.memory_space<semaphore_mem>>) src(%dma_wait3A_207 : memref<128x128xf32, #tpu.memory_space<hbm>>) dst(%arg9 : memref<128x128xf32, #tpu.memory_space<vmem>>)
      %add3A_208 = arith.constant 1 : i32
      %add3A_209 = arith.addi %add3A_189, %add3A_208 : i32
      %lt3A = arith.constant 40 : i32
      %lt3A_210 = arith.cmpi slt, %add3A_209, %lt3A : i32
      %convert_element_type3A = arith.extui %lt3A_210 : i1 to i32
      %cond3A = arith.constant 0 : i32
      %cond3A_211 = arith.cmpi ne, %convert_element_type3A, %cond3A : i32
      scf.if %cond3A_211 {
        %add3A_212 = arith.constant 1 : i32
        %add3A_213 = arith.addi %add3A_189, %add3A_212 : i32
        %dma_start3A_214 = arith.constant 0 : i32
        %dma_start3A_215 = tpu.memref_slice %arg7[%add3A_213, %dma_start3A_214] : memref<40x128xi32, #tpu.memory_space<vmem>> -> memref<1x128xi32, #tpu.memory_space<vmem>>
        %dma_start3A_216 = tpu.memref_squeeze %dma_start3A_215 : memref<1x128xi32, #tpu.memory_space<vmem>> -> memref<128xi32, #tpu.memory_space<vmem>>
        %dma_start3A_217 = arith.constant 0 : i32
        %dma_start3A_218 = arith.constant 0 : i32
        %dma_start3A_219 = tpu.memref_slice %arg2[%dma_start3A_217, %dma_start3A_218] : memref<10240x128xf32, #tpu.memory_space<hbm>> -> memref<10240x128xf32, #tpu.memory_space<hbm>>
        tpu.enqueue_indirect_dma source(%dma_start3A_219 : memref<10240x128xf32, #tpu.memory_space<hbm>>) target(%arg9 : memref<128x128xf32, #tpu.memory_space<vmem>>) offsets(%dma_start3A_216 : memref<128xi32, #tpu.memory_space<vmem>>) semaphore(%arg12 : memref<!tpu.dma_semaphore, #tpu.memory_space<semaphore_mem>>)
      } else {
      }
      "tpu.region"() ({
        %run_scoped3A = tpu.sem_alloc : memref<!tpu.dma_semaphore, #tpu.memory_space<semaphore_mem>>
        %dma_start3A_212 = arith.constant 0 : i32
        %dma_start3A_213 = tpu.memref_slice %arg8[%add3A_189, %dma_start3A_212] : memref<40x128xi32, #tpu.memory_space<vmem>> -> memref<1x128xi32, #tpu.memory_space<vmem>>
        %dma_start3A_214 = tpu.memref_squeeze %dma_start3A_213 : memref<1x128xi32, #tpu.memory_space<vmem>> -> memref<128xi32, #tpu.memory_space<vmem>>
        %dma_start3A_215 = arith.constant 0 : i32
        %dma_start3A_216 = arith.constant 0 : i32
        %dma_start3A_217 = tpu.memref_slice %arg11[%dma_start3A_215, %dma_start3A_216] : memref<10240x128xf32, #tpu.memory_space<vmem_shared>> -> memref<10240x128xf32, #tpu.memory_space<vmem_shared>>
        tpu.enqueue_indirect_dma source(%arg10 : memref<128x128xf32, #tpu.memory_space<vmem>>) target(%dma_start3A_217 : memref<10240x128xf32, #tpu.memory_space<vmem_shared>>) offsets(%dma_start3A_214 : memref<128xi32, #tpu.memory_space<vmem>>) semaphore(%run_scoped3A : memref<!tpu.dma_semaphore, #tpu.memory_space<semaphore_mem>>) {add = true}
        %dma_wait3A_218 = arith.constant 0 : i32
        %dma_wait3A_219 = tpu.memref_slice %arg8[%add3A_189, %dma_wait3A_218] : memref<40x128xi32, #tpu.memory_space<vmem>> -> memref<1x128xi32, #tpu.memory_space<vmem>>
        %dma_wait3A_220 = tpu.memref_squeeze %dma_wait3A_219 : memref<1x128xi32, #tpu.memory_space<vmem>> -> memref<128xi32, #tpu.memory_space<vmem>>
        %dma_wait3A_221 = arith.constant 0 : i32
        %dma_wait3A_222 = arith.constant 0 : i32
        %dma_wait3A_223 = tpu.memref_slice %arg11[%dma_wait3A_221, %dma_wait3A_222] : memref<10240x128xf32, #tpu.memory_space<vmem_shared>> -> memref<10240x128xf32, #tpu.memory_space<vmem_shared>>
        tpu.wait_indirect_dma semaphore(%run_scoped3A : memref<!tpu.dma_semaphore, #tpu.memory_space<semaphore_mem>>) src(%arg10 : memref<128x128xf32, #tpu.memory_space<vmem>>) dst(%dma_wait3A_223 : memref<10240x128xf32, #tpu.memory_space<vmem_shared>>)
        tpu.yield
      }) : () -> ()
    }
    %scan3A_167 = arith.constant 20 : i32
    %barrier3A_168 = arith.constant 0 : index
    tpu.barrier barrier_id(%barrier3A_168)
    %dma_start3A_169 = arith.constant 0 : i32
    %dma_start3A_170 = arith.constant 0 : i32
    %dma_start3A_171 = tpu.memref_slice %arg6[%arg0, %dma_start3A_169, %dma_start3A_170] : memref<2x10240x128xf32, #tpu.memory_space<hbm>> -> memref<1x10240x128xf32, #tpu.memory_space<hbm>>
    %dma_start3A_172 = tpu.memref_squeeze %dma_start3A_171 : memref<1x10240x128xf32, #tpu.memory_space<hbm>> -> memref<10240x128xf32, #tpu.memory_space<hbm>>
    %dma_start3A_173 = arith.constant 0 : i32
    %dma_start3A_174 = tpu.memref_slice %dma_start3A_172[%mul3A_2, %dma_start3A_173] : memref<10240x128xf32, #tpu.memory_space<hbm>> -> memref<640x128xf32, #tpu.memory_space<hbm>>
    %dma_start3A_175 = arith.constant 0 : i32
    %dma_start3A_176 = tpu.memref_slice %arg11[%mul3A_2, %dma_start3A_175] : memref<10240x128xf32, #tpu.memory_space<vmem_shared>> -> memref<640x128xf32, #tpu.memory_space<vmem_shared>>
    tpu.enqueue_dma source(%dma_start3A_176 : memref<640x128xf32, #tpu.memory_space<vmem_shared>>) target(%dma_start3A_174 : memref<640x128xf32, #tpu.memory_space<hbm>>) target_semaphore(%arg12 : memref<!tpu.dma_semaphore, #tpu.memory_space<semaphore_mem>>)
    %dma_wait3A_177 = arith.constant 0 : i32
    %dma_wait3A_178 = arith.constant 0 : i32
    %dma_wait3A_179 = tpu.memref_slice %arg6[%arg0, %dma_wait3A_177, %dma_wait3A_178] : memref<2x10240x128xf32, #tpu.memory_space<hbm>> -> memref<1x10240x128xf32, #tpu.memory_space<hbm>>
    %dma_wait3A_180 = tpu.memref_squeeze %dma_wait3A_179 : memref<1x10240x128xf32, #tpu.memory_space<hbm>> -> memref<10240x128xf32, #tpu.memory_space<hbm>>
    %dma_wait3A_181 = arith.constant 0 : i32
    %dma_wait3A_182 = tpu.memref_slice %dma_wait3A_180[%mul3A_2, %dma_wait3A_181] : memref<10240x128xf32, #tpu.memory_space<hbm>> -> memref<640x128xf32, #tpu.memory_space<hbm>>
    %dma_wait3A_183 = arith.constant 0 : i32
    %dma_wait3A_184 = tpu.memref_slice %arg11[%mul3A_2, %dma_wait3A_183] : memref<10240x128xf32, #tpu.memory_space<vmem_shared>> -> memref<640x128xf32, #tpu.memory_space<vmem_shared>>
    tpu.wait_dma2 semaphore(%arg12 : memref<!tpu.dma_semaphore, #tpu.memory_space<semaphore_mem>>) src(%dma_wait3A_184 : memref<640x128xf32, #tpu.memory_space<vmem_shared>>) dst(%dma_wait3A_182 : memref<640x128xf32, #tpu.memory_space<hbm>>)
    return
  }
}

module attributes {stable_mosaic.version = 14 : i64} {
  func.func @_mm1_body(%arg0: i32, %arg1: memref<640x128xf32, #tpu.memory_space<vmem>>, %arg2: memref<128x128xf32, #tpu.memory_space<vmem>>, %arg3: memref<2x640x16xf32, #tpu.memory_space<vmem>>, %arg4: memref<640x128xf32, #tpu.memory_space<vmem>>, %arg5: memref<640x128xf32, #tpu.memory_space<vmem>>, %arg6: memref<640x16xf32, #tpu.memory_space<vmem>>) attributes {dimension_semantics = [#tpu.dimension_semantics<arbitrary>], iteration_bounds = array<i64: 16>, scalar_prefetch = 0 : i64, scratch_operands = 0 : i64, tpu.core_type = #tpu.core_type<tc>, window_params = [{transform_indices = @transform_0, window_bounds = array<i64: 640, 128>}, {pipeline_mode = #tpu.pipeline_mode<synchronous>, transform_indices = @transform_1, window_bounds = array<i64: 128, 128>}, {transform_indices = @transform_2, window_bounds = array<i64: 2, 640, 16>}, {transform_indices = @transform_3, window_bounds = array<i64: 640, 128>}, {transform_indices = @transform_4, window_bounds = array<i64: 640, 128>}, {transform_indices = @transform_5, window_bounds = array<i64: 640, 16>}]} {
    %get3A = arith.constant 0 : index
    %get3A_0 = arith.constant 0 : index
    %get3A_1 = arith.constant 0 : index
    %get3A_2 = vector.load %arg3[%get3A, %get3A_0, %get3A_1] : memref<2x640x16xf32, #tpu.memory_space<vmem>>, vector<1x640x16xf32>
    %get3A_3 = vector.shape_cast %get3A_2 : vector<1x640x16xf32> to vector<640x16xf32>
    %get3A_4 = arith.constant 1 : index
    %get3A_5 = arith.constant 0 : index
    %get3A_6 = arith.constant 0 : index
    %get3A_7 = vector.load %arg3[%get3A_4, %get3A_5, %get3A_6] : memref<2x640x16xf32, #tpu.memory_space<vmem>>, vector<1x640x16xf32>
    %get3A_8 = vector.shape_cast %get3A_7 : vector<1x640x16xf32> to vector<640x16xf32>
    %add3A = arith.addf %get3A_3, %get3A_8 : vector<640x16xf32>
    %add3A_9 = arith.constant 1.000000e+00 : f32
    %add3A_10 = vector.broadcast %add3A_9 : f32 to vector<640x16xf32>
    %add3A_11 = arith.addf %add3A, %add3A_10 : vector<640x16xf32>
    %slice3A = vector.extract_strided_slice %add3A_11 {offsets = [0, 0], sizes = [640, 1], strides = [1, 1]} : vector<640x16xf32> to vector<640x1xf32>
    %rsqrt3A = math.rsqrt %slice3A : vector<640x1xf32>
    %get3A_12 = arith.constant 0 : index
    %get3A_13 = arith.constant 0 : index
    %get3A_14 = vector.load %arg1[%get3A_12, %get3A_13] : memref<640x128xf32, #tpu.memory_space<vmem>>, vector<640x128xf32>
    %get3A_15 = arith.constant 0 : index
    %get3A_16 = arith.constant 0 : index
    %get3A_17 = vector.load %arg2[%get3A_15, %get3A_16] : memref<128x128xf32, #tpu.memory_space<vmem>>, vector<128x128xf32>
    %dot_general3A = arith.constant dense<0.000000e+00> : vector<640x128xf32>
    %dot_general3A_18 = tpu.matmul %get3A_14, %get3A_17, %dot_general3A {dimension_numbers = #tpu.dot_dimension_numbers<[1], [0], [0], [1], [0, 0, 1, 1], [], []>, transpose_lhs_hint = false} : vector<640x128xf32>, vector<128x128xf32>, vector<640x128xf32> -> vector<640x128xf32>
    %swap3A = arith.constant 0 : index
    %swap3A_19 = arith.constant 0 : index
    %swap3A_20 = vector.load %arg4[%swap3A, %swap3A_19] : memref<640x128xf32, #tpu.memory_space<vmem>>, vector<640x128xf32>
    tpu.vector_store %arg4[%swap3A, %swap3A_19], %dot_general3A_18 {strides = array<i32>} : memref<640x128xf32, #tpu.memory_space<vmem>>, vector<640x128xf32>,
    %mul3A = vector.broadcast %rsqrt3A : vector<640x1xf32> to vector<640x128xf32>
    %mul3A_21 = arith.mulf %dot_general3A_18, %mul3A : vector<640x128xf32>
    %swap3A_22 = arith.constant 0 : index
    %swap3A_23 = arith.constant 0 : index
    %swap3A_24 = vector.load %arg5[%swap3A_22, %swap3A_23] : memref<640x128xf32, #tpu.memory_space<vmem>>, vector<640x128xf32>
    tpu.vector_store %arg5[%swap3A_22, %swap3A_23], %mul3A_21 {strides = array<i32>} : memref<640x128xf32, #tpu.memory_space<vmem>>, vector<640x128xf32>,
    %swap3A_25 = arith.constant 0 : index
    %swap3A_26 = arith.constant 0 : index
    %swap3A_27 = vector.load %arg6[%swap3A_25, %swap3A_26] : memref<640x16xf32, #tpu.memory_space<vmem>>, vector<640x16xf32>
    tpu.vector_store %arg6[%swap3A_25, %swap3A_26], %add3A_11 {strides = array<i32>} : memref<640x16xf32, #tpu.memory_space<vmem>>, vector<640x16xf32>,
    return
  }
  func.func @transform_0(%arg0: i32) -> (i32, i32) {
    %c0_i32 = arith.constant 0 : i32
    %c0_i32_0 = arith.constant 0 : i32
    return %arg0, %c0_i32 : i32, i32
  }
  func.func @transform_1(%arg0: i32) -> (i32, i32) {
    %c0_i32 = arith.constant 0 : i32
    %c0_i32_0 = arith.constant 0 : i32
    %c0_i32_1 = arith.constant 0 : i32
    return %c0_i32, %c0_i32_0 : i32, i32
  }
  func.func @transform_2(%arg0: i32) -> (i32, i32, i32) {
    %c0_i32 = arith.constant 0 : i32
    %c0_i32_0 = arith.constant 0 : i32
    %c0_i32_1 = arith.constant 0 : i32
    return %c0_i32, %arg0, %c0_i32_0 : i32, i32, i32
  }
  func.func @transform_3(%arg0: i32) -> (i32, i32) {
    %c0_i32 = arith.constant 0 : i32
    %c0_i32_0 = arith.constant 0 : i32
    return %arg0, %c0_i32 : i32, i32
  }
  func.func @transform_4(%arg0: i32) -> (i32, i32) {
    %c0_i32 = arith.constant 0 : i32
    %c0_i32_0 = arith.constant 0 : i32
    return %arg0, %c0_i32 : i32, i32
  }
  func.func @transform_5(%arg0: i32) -> (i32, i32) {
    %c0_i32 = arith.constant 0 : i32
    %c0_i32_0 = arith.constant 0 : i32
    return %arg0, %c0_i32 : i32, i32
  }
}

module attributes {stable_mosaic.version = 14 : i64} {
  func.func @_combmm_body(%arg0: i32, %arg1: memref<2x640x128xf32, #tpu.memory_space<vmem>>, %arg2: memref<640x128xf32, #tpu.memory_space<vmem>>, %arg3: memref<640x16xf32, #tpu.memory_space<vmem>>, %arg4: memref<1x128xf32, #tpu.memory_space<vmem>>, %arg5: memref<128x128xf32, #tpu.memory_space<vmem>>, %arg6: memref<640x128xf32, #tpu.memory_space<vmem>>, %arg7: memref<640x128xf32, #tpu.memory_space<vmem>>, %arg8: memref<640x128xf32, #tpu.memory_space<vmem>>) attributes {dimension_semantics = [#tpu.dimension_semantics<arbitrary>], iteration_bounds = array<i64: 16>, scalar_prefetch = 0 : i64, scratch_operands = 0 : i64, tpu.core_type = #tpu.core_type<tc>, window_params = [{transform_indices = @transform_0, window_bounds = array<i64: 2, 640, 128>}, {transform_indices = @transform_1, window_bounds = array<i64: 640, 128>}, {transform_indices = @transform_2, window_bounds = array<i64: 640, 16>}, {pipeline_mode = #tpu.pipeline_mode<synchronous>, transform_indices = @transform_3, window_bounds = array<i64: 1, 128>}, {pipeline_mode = #tpu.pipeline_mode<synchronous>, transform_indices = @transform_4, window_bounds = array<i64: 128, 128>}, {transform_indices = @transform_5, window_bounds = array<i64: 640, 128>}, {transform_indices = @transform_6, window_bounds = array<i64: 640, 128>}, {transform_indices = @transform_7, window_bounds = array<i64: 640, 128>}]} {
    %get3A = arith.constant 0 : index
    %get3A_0 = arith.constant 0 : index
    %get3A_1 = vector.load %arg3[%get3A, %get3A_0] : memref<640x16xf32, #tpu.memory_space<vmem>>, vector<640x1xf32>
    %rsqrt3A = math.rsqrt %get3A_1 : vector<640x1xf32>
    %get3A_2 = arith.constant 0 : index
    %get3A_3 = arith.constant 0 : index
    %get3A_4 = arith.constant 0 : index
    %get3A_5 = vector.load %arg1[%get3A_2, %get3A_3, %get3A_4] : memref<2x640x128xf32, #tpu.memory_space<vmem>>, vector<1x640x128xf32>
    %get3A_6 = vector.shape_cast %get3A_5 : vector<1x640x128xf32> to vector<640x128xf32>
    %get3A_7 = arith.constant 1 : index
    %get3A_8 = arith.constant 0 : index
    %get3A_9 = arith.constant 0 : index
    %get3A_10 = vector.load %arg1[%get3A_7, %get3A_8, %get3A_9] : memref<2x640x128xf32, #tpu.memory_space<vmem>>, vector<1x640x128xf32>
    %get3A_11 = vector.shape_cast %get3A_10 : vector<1x640x128xf32> to vector<640x128xf32>
    %add3A = arith.addf %get3A_6, %get3A_11 : vector<640x128xf32>
    %mul3A = vector.broadcast %rsqrt3A : vector<640x1xf32> to vector<640x128xf32>
    %mul3A_12 = arith.mulf %add3A, %mul3A : vector<640x128xf32>
    %get3A_13 = arith.constant 0 : index
    %get3A_14 = arith.constant 0 : index
    %get3A_15 = vector.load %arg2[%get3A_13, %get3A_14] : memref<640x128xf32, #tpu.memory_space<vmem>>, vector<640x128xf32>
    %div3A = vector.broadcast %get3A_1 : vector<640x1xf32> to vector<640x128xf32>
    %div3A_16 = arith.divf %get3A_15, %div3A : vector<640x128xf32>
    %add3A_17 = arith.addf %mul3A_12, %div3A_16 : vector<640x128xf32>
    %get3A_18 = arith.constant 0 : index
    %get3A_19 = arith.constant 0 : index
    %get3A_20 = vector.load %arg4[%get3A_18, %get3A_19] : memref<1x128xf32, #tpu.memory_space<vmem>>, vector<1x128xf32>
    %add3A_21 = vector.broadcast %get3A_20 : vector<1x128xf32> to vector<640x128xf32>
    %add3A_22 = arith.addf %add3A_17, %add3A_21 : vector<640x128xf32>
    %gt3A = arith.constant 0.000000e+00 : f32
    %gt3A_23 = vector.broadcast %gt3A : f32 to vector<640x128xf32>
    %gt3A_24 = arith.cmpf ogt, %add3A_22, %gt3A_23 : vector<640x128xf32>
    %min3A = arith.constant 0.000000e+00 : f32
    %min3A_25 = vector.broadcast %min3A : f32 to vector<640x128xf32>
    %min3A_26 = arith.minimumf %add3A_22, %min3A_25 : vector<640x128xf32>
    %exp3A = math.exp %min3A_26 : vector<640x128xf32>
    %sub3A = arith.constant 1.000000e+00 : f32
    %sub3A_27 = vector.broadcast %sub3A : f32 to vector<640x128xf32>
    %sub3A_28 = arith.subf %exp3A, %sub3A_27 : vector<640x128xf32>
    %select_n3A = arith.select %gt3A_24, %add3A_22, %sub3A_28 : vector<640x128xi1>, vector<640x128xf32>
    %swap3A = arith.constant 0 : index
    %swap3A_29 = arith.constant 0 : index
    %swap3A_30 = vector.load %arg6[%swap3A, %swap3A_29] : memref<640x128xf32, #tpu.memory_space<vmem>>, vector<640x128xf32>
    tpu.vector_store %arg6[%swap3A, %swap3A_29], %select_n3A {strides = array<i32>} : memref<640x128xf32, #tpu.memory_space<vmem>>, vector<640x128xf32>,
    %get3A_31 = arith.constant 0 : index
    %get3A_32 = arith.constant 0 : index
    %get3A_33 = vector.load %arg5[%get3A_31, %get3A_32] : memref<128x128xf32, #tpu.memory_space<vmem>>, vector<128x128xf32>
    %dot_general3A = arith.constant dense<0.000000e+00> : vector<640x128xf32>
    %dot_general3A_34 = tpu.matmul %select_n3A, %get3A_33, %dot_general3A {dimension_numbers = #tpu.dot_dimension_numbers<[1], [0], [0], [1], [0, 0, 1, 1], [], []>, transpose_lhs_hint = false} : vector<640x128xf32>, vector<128x128xf32>, vector<640x128xf32> -> vector<640x128xf32>
    %swap3A_35 = arith.constant 0 : index
    %swap3A_36 = arith.constant 0 : index
    %swap3A_37 = vector.load %arg7[%swap3A_35, %swap3A_36] : memref<640x128xf32, #tpu.memory_space<vmem>>, vector<640x128xf32>
    tpu.vector_store %arg7[%swap3A_35, %swap3A_36], %dot_general3A_34 {strides = array<i32>} : memref<640x128xf32, #tpu.memory_space<vmem>>, vector<640x128xf32>,
    %mul3A_38 = vector.broadcast %rsqrt3A : vector<640x1xf32> to vector<640x128xf32>
    %mul3A_39 = arith.mulf %dot_general3A_34, %mul3A_38 : vector<640x128xf32>
    %swap3A_40 = arith.constant 0 : index
    %swap3A_41 = arith.constant 0 : index
    %swap3A_42 = vector.load %arg8[%swap3A_40, %swap3A_41] : memref<640x128xf32, #tpu.memory_space<vmem>>, vector<640x128xf32>
    tpu.vector_store %arg8[%swap3A_40, %swap3A_41], %mul3A_39 {strides = array<i32>} : memref<640x128xf32, #tpu.memory_space<vmem>>, vector<640x128xf32>,
    return
  }
  func.func @transform_0(%arg0: i32) -> (i32, i32, i32) {
    %c0_i32 = arith.constant 0 : i32
    %c0_i32_0 = arith.constant 0 : i32
    %c0_i32_1 = arith.constant 0 : i32
    return %c0_i32, %arg0, %c0_i32_0 : i32, i32, i32
  }
  func.func @transform_1(%arg0: i32) -> (i32, i32) {
    %c0_i32 = arith.constant 0 : i32
    %c0_i32_0 = arith.constant 0 : i32
    return %arg0, %c0_i32 : i32, i32
  }
  func.func @transform_2(%arg0: i32) -> (i32, i32) {
    %c0_i32 = arith.constant 0 : i32
    %c0_i32_0 = arith.constant 0 : i32
    return %arg0, %c0_i32 : i32, i32
  }
  func.func @transform_3(%arg0: i32) -> (i32, i32) {
    %c0_i32 = arith.constant 0 : i32
    %c0_i32_0 = arith.constant 0 : i32
    %c0_i32_1 = arith.constant 0 : i32
    return %c0_i32, %c0_i32_0 : i32, i32
  }
  func.func @transform_4(%arg0: i32) -> (i32, i32) {
    %c0_i32 = arith.constant 0 : i32
    %c0_i32_0 = arith.constant 0 : i32
    %c0_i32_1 = arith.constant 0 : i32
    return %c0_i32, %c0_i32_0 : i32, i32
  }
  func.func @transform_5(%arg0: i32) -> (i32, i32) {
    %c0_i32 = arith.constant 0 : i32
    %c0_i32_0 = arith.constant 0 : i32
    return %arg0, %c0_i32 : i32, i32
  }
  func.func @transform_6(%arg0: i32) -> (i32, i32) {
    %c0_i32 = arith.constant 0 : i32
    %c0_i32_0 = arith.constant 0 : i32
    return %arg0, %c0_i32 : i32, i32
  }
  func.func @transform_7(%arg0: i32) -> (i32, i32) {
    %c0_i32 = arith.constant 0 : i32
    %c0_i32_0 = arith.constant 0 : i32
    return %arg0, %c0_i32 : i32, i32
  }
}

module attributes {stable_mosaic.version = 14 : i64} {
  func.func @_comb2_body(%arg0: i32, %arg1: memref<2x400x128xf32, #tpu.memory_space<vmem>>, %arg2: memref<400x128xf32, #tpu.memory_space<vmem>>, %arg3: memref<400x16xf32, #tpu.memory_space<vmem>>, %arg4: memref<1x128xf32, #tpu.memory_space<vmem>>, %arg5: memref<400x128xf32, #tpu.memory_space<vmem>>, %arg6: memref<400x256xf32, #tpu.memory_space<vmem>>) attributes {dimension_semantics = [#tpu.dimension_semantics<arbitrary>], iteration_bounds = array<i64: 25>, scalar_prefetch = 0 : i64, scratch_operands = 0 : i64, tpu.core_type = #tpu.core_type<tc>, window_params = [{transform_indices = @transform_0, window_bounds = array<i64: 2, 400, 128>}, {transform_indices = @transform_1, window_bounds = array<i64: 400, 128>}, {transform_indices = @transform_2, window_bounds = array<i64: 400, 16>}, {pipeline_mode = #tpu.pipeline_mode<synchronous>, transform_indices = @transform_3, window_bounds = array<i64: 1, 128>}, {transform_indices = @transform_4, window_bounds = array<i64: 400, 128>}, {transform_indices = @transform_5, window_bounds = array<i64: 400, 256>}]} {
    %get3A = arith.constant 0 : index
    %get3A_0 = arith.constant 0 : index
    %get3A_1 = vector.load %arg3[%get3A, %get3A_0] : memref<400x16xf32, #tpu.memory_space<vmem>>, vector<400x1xf32>
    %rsqrt3A = math.rsqrt %get3A_1 : vector<400x1xf32>
    %get3A_2 = arith.constant 0 : index
    %get3A_3 = arith.constant 0 : index
    %get3A_4 = arith.constant 0 : index
    %get3A_5 = vector.load %arg1[%get3A_2, %get3A_3, %get3A_4] : memref<2x400x128xf32, #tpu.memory_space<vmem>>, vector<1x400x128xf32>
    %get3A_6 = vector.shape_cast %get3A_5 : vector<1x400x128xf32> to vector<400x128xf32>
    %get3A_7 = arith.constant 1 : index
    %get3A_8 = arith.constant 0 : index
    %get3A_9 = arith.constant 0 : index
    %get3A_10 = vector.load %arg1[%get3A_7, %get3A_8, %get3A_9] : memref<2x400x128xf32, #tpu.memory_space<vmem>>, vector<1x400x128xf32>
    %get3A_11 = vector.shape_cast %get3A_10 : vector<1x400x128xf32> to vector<400x128xf32>
    %add3A = arith.addf %get3A_6, %get3A_11 : vector<400x128xf32>
    %mul3A = vector.broadcast %rsqrt3A : vector<400x1xf32> to vector<400x128xf32>
    %mul3A_12 = arith.mulf %add3A, %mul3A : vector<400x128xf32>
    %get3A_13 = arith.constant 0 : index
    %get3A_14 = arith.constant 0 : index
    %get3A_15 = vector.load %arg2[%get3A_13, %get3A_14] : memref<400x128xf32, #tpu.memory_space<vmem>>, vector<400x128xf32>
    %div3A = vector.broadcast %get3A_1 : vector<400x1xf32> to vector<400x128xf32>
    %div3A_16 = arith.divf %get3A_15, %div3A : vector<400x128xf32>
    %add3A_17 = arith.addf %mul3A_12, %div3A_16 : vector<400x128xf32>
    %get3A_18 = arith.constant 0 : index
    %get3A_19 = arith.constant 0 : index
    %get3A_20 = vector.load %arg4[%get3A_18, %get3A_19] : memref<1x128xf32, #tpu.memory_space<vmem>>, vector<1x128xf32>
    %add3A_21 = vector.broadcast %get3A_20 : vector<1x128xf32> to vector<400x128xf32>
    %add3A_22 = arith.addf %add3A_17, %add3A_21 : vector<400x128xf32>
    %gt3A = arith.constant 0.000000e+00 : f32
    %gt3A_23 = vector.broadcast %gt3A : f32 to vector<400x128xf32>
    %gt3A_24 = arith.cmpf ogt, %add3A_22, %gt3A_23 : vector<400x128xf32>
    %min3A = arith.constant 0.000000e+00 : f32
    %min3A_25 = vector.broadcast %min3A : f32 to vector<400x128xf32>
    %min3A_26 = arith.minimumf %add3A_22, %min3A_25 : vector<400x128xf32>
    %exp3A = math.exp %min3A_26 : vector<400x128xf32>
    %sub3A = arith.constant 1.000000e+00 : f32
    %sub3A_27 = vector.broadcast %sub3A : f32 to vector<400x128xf32>
    %sub3A_28 = arith.subf %exp3A, %sub3A_27 : vector<400x128xf32>
    %select_n3A = arith.select %gt3A_24, %add3A_22, %sub3A_28 : vector<400x128xi1>, vector<400x128xf32>
    %get3A_29 = arith.constant 0 : index
    %get3A_30 = arith.constant 0 : index
    %get3A_31 = vector.load %arg5[%get3A_29, %get3A_30] : memref<400x128xf32, #tpu.memory_space<vmem>>, vector<400x128xf32>
    %swap3A = arith.constant 0 : index
    %swap3A_32 = arith.constant 0 : index
    %swap3A_33 = vector.load %arg6[%swap3A, %swap3A_32] : memref<400x256xf32, #tpu.memory_space<vmem>>, vector<400x128xf32>
    tpu.vector_store %arg6[%swap3A, %swap3A_32], %get3A_31 {strides = array<i32>} : memref<400x256xf32, #tpu.memory_space<vmem>>, vector<400x128xf32>,
    %swap3A_34 = arith.constant 0 : index
    %swap3A_35 = arith.constant 128 : index
    %swap3A_36 = vector.load %arg6[%swap3A_34, %swap3A_35] : memref<400x256xf32, #tpu.memory_space<vmem>>, vector<400x128xf32>
    tpu.vector_store %arg6[%swap3A_34, %swap3A_35], %select_n3A {strides = array<i32>} : memref<400x256xf32, #tpu.memory_space<vmem>>, vector<400x128xf32>,
    return
  }
  func.func @transform_0(%arg0: i32) -> (i32, i32, i32) {
    %c0_i32 = arith.constant 0 : i32
    %c0_i32_0 = arith.constant 0 : i32
    %c0_i32_1 = arith.constant 0 : i32
    return %c0_i32, %arg0, %c0_i32_0 : i32, i32, i32
  }
  func.func @transform_1(%arg0: i32) -> (i32, i32) {
    %c0_i32 = arith.constant 0 : i32
    %c0_i32_0 = arith.constant 0 : i32
    return %arg0, %c0_i32 : i32, i32
  }
  func.func @transform_2(%arg0: i32) -> (i32, i32) {
    %c0_i32 = arith.constant 0 : i32
    %c0_i32_0 = arith.constant 0 : i32
    return %arg0, %c0_i32 : i32, i32
  }
  func.func @transform_3(%arg0: i32) -> (i32, i32) {
    %c0_i32 = arith.constant 0 : i32
    %c0_i32_0 = arith.constant 0 : i32
    %c0_i32_1 = arith.constant 0 : i32
    return %c0_i32, %c0_i32_0 : i32, i32
  }
  func.func @transform_4(%arg0: i32) -> (i32, i32) {
    %c0_i32 = arith.constant 0 : i32
    %c0_i32_0 = arith.constant 0 : i32
    return %arg0, %c0_i32 : i32, i32
  }
  func.func @transform_5(%arg0: i32) -> (i32, i32) {
    %c0_i32 = arith.constant 0 : i32
    %c0_i32_0 = arith.constant 0 : i32
    return %arg0, %c0_i32 : i32, i32
  }
}

</mosaic_0001>

<sc_bundles>
// kernel: kernel.11.cloned.1.call-start
scs
__scs_entry_jumppad:
0x0: {  	(pc) =	sbr.rel $0x88, $3  }
0x1: {  	(tag) =	ssettag $0x0;
	lr =	simm.s32 $0x1  }
0x2: {  	[smem:$0x3F9B] =	sst lr;
	_ =	strace $0xD0000000  }
0x3: {  	_ = 	snop  }
0x4: {  	_ = 	snop  }
0x5: {  	_ = 	snop  }
0x6: {  	_ = 	snop  }
0x7: {  	_ = 	snop  }
__scs_overlays_trampoline_lowered:
0x8: {  	[smem:$0x3FAA] =	sst s0  }
0x9: {  	[smem:$0x3FAB] =	sst s1  }
0xa: {  	[smem:$0x3FAC] =	sst s2  }
0xb: {  	[smem:$0x3FAD] =	sst s3  }
0xc: {  	[smem:$0x3FAE] =	sst s4  }
0xd: {  	[smem:$0x3FAF] =	sst s5  }
0xe: {  	[smem:$0x3FB0] =	sst s6  }
0xf: {  	[smem:$0x3FB1] =	sst s7  }
0x10: {  	[smem:$0x3FB2] =	sst s8  }
0x11: {  	[smem:$0x3FB3] =	sst s9;
	s0 =	simm.s32 @!p0 $0x0  }
0x12: {  	s1 =	sld [smem:$0x3F99];
	s0 =	simm.s32 @p0 $0x1  }
0x13: {  	[smem:$0x3FB4] =	sst s0;
	s0 =	simm.s32 @!p1 $0x0  }
0x14: {  	s2 =	sld [smem:$0x3F98];
	s0 =	simm.s32 @p1 $0x1  }
0x15: {  	[smem:$0x3FB5] =	sst s0;
	s0 =	simm.s32 @!p2 $0x0  }
0x16: {  	s3 =	sld [smem:$0x3FDB];
	s0 =	simm.s32 @p2 $0x1  }
0x17: {  	s4 =	simm.s32 $0x1BF5;
	[smem:$0x3FB7] =	sst s0  }
0x18: {  	s0 =	sld [smem:$0x3F9A];
	_ =	swait.ge [sflag:s4], $0x0  }
0x19: {  	s7 =	sld [smem:$0x3F9B]  }
0x1a: {  	s8 =	sadd.s32 $0xFFFFE003, lr  }
0x1b: {  	s9 =	sadd.s32 $0xFFFFFEF7, lr;
	s5 =	simm.s32 $0xFFFFFFFF;
	p2 =	slt.u32 s8, $0xFFFFF086  }
0x1c: {  	p1 =	slt.u32 s9, $0xF7A;
	s5 =	simm.s32 @!p2 $0x0  }
0x1d: {  	s5 =	simm.s32 @p1 $0x1;
	p0 =	seq.s32 s7, s2  }
0x1e: {  	s7 =	smul.u32 @!p0 $0xF7A, s2;
	p2 =	seq.s32 @!p0 s5, $0x0  }
0x1f: {  	s9 =	smul.u32 $0xF7A, s1;
	s8 =	simm.s32 @!p0 $0x1BF5;
	p2 =	por !p2, p0  }
0x20: {  	[sflag:s8] =	ssyncset.s32 @!p0 $0xFFFFF086;
	s6 =	sadd.s32 @!p0 s3, s7;
	s7 =	simm.s32 @!p0 $0x108  }
0x21: {  	s3 =	sadd.s32 s3, s9;
	s6 =	sadd.s32 @!p0 $0x88, s6;
	s7 =	simm.s32 @p2 $0x1082  }
0x22: {  	[simem:s7], [sflag:s8] =	dma.local @!p0 [hbm:s6], $0xF7A  }
0x23: {  	s9 =	sor.u32 $0xD0000000, s2;
	s6 =	simm.s32 $0x108;
	_ =	swait.ge @!p0 [sflag:s8], $0x0  }
0x24: {  	s3 =	sadd.s32 $0x88, s3;
	s6 =	simm.s32 @!p1 $0x1082;
	[sflag:s4] =	ssyncset.s32 $0xFFFFF086  }
0x25: {  	[simem:s6], [sflag:s4] =	dma.local [hbm:s3], $0xF7A  }
0x26: {  	[smem:$0x3F9B] =	sst s1;
	(tag) =	ssettag s2;
	_ =	strace s9  }
0x27: {  	s1 =	sld [smem:$0x3FAB]  }
0x28: {  	s2 =	sld [smem:$0x3FAC]  }
0x29: {  	s4 =	sld [smem:$0x3FAE]  }
0x2a: {  	p0 =	seq.s32 s5, $0x0;
	s5 =	sld [smem:$0x3FAF]  }
0x2b: {  	s6 =	sld [smem:$0x3FB0]  }
0x2c: {  	s7 =	sld [smem:$0x3FB1]  }
0x2d: {  	s3 =	simm.s32 $0x108;
	s8 =	sld [smem:$0x3FB2]  }
0x2e: {  	s3 =	simm.s32 @!p0 $0x1082;
	s9 =	sld [smem:$0x3FB3]  }
0x2f: {  	lr =	sadd.s32 s0, s3;
	s0 =	sld [smem:$0x3FAA]  }
0x30: {  	s3 =	sld [smem:$0x3FAD]  }
0x31: {  	[smem:$0x3FB6] =	sst s10  }
0x32: {  	s10 =	sld [smem:$0x3FB4];
	_ =	sdelay $0x3  }
0x33: {  	p0 =	seq.s32 s10, $0x1;
	s10 =	sld [smem:$0x3FB6];
	_ =	sdelay $0x3  }
0x34: {  	[smem:$0x3FB6] =	sst s10  }
0x35: {  	s10 =	sld [smem:$0x3FB5];
	_ =	sdelay $0x3  }
0x36: {  	p1 =	seq.s32 s10, $0x1;
	s10 =	sld [smem:$0x3FB6];
	_ =	sdelay $0x3  }
0x37: {  	[smem:$0x3FB6] =	sst s10  }
0x38: {  	s10 =	sld [smem:$0x3FB7]  }
0x39: {  	_ = 	snop;
	(pc) =	sbr.ind lr, $3  }
0x3a: {  	_ = 	snop  }
0x3b: {  	_ = 	snop  }
0x3c: {  	p2 =	seq.s32 s10, $0x1;
	s10 =	sld [smem:$0x3FB6]  }
0x3d: {  	_ =	shalt  }
0x3e: {  	_ =	shalt  }
0x3f: {  	_ =	shalt  }
0x40: {  	_ =	shalt  }
0x41: {  	_ =	shalt  }
0x42: {  	_ =	shalt  }
0x43: {  	_ =	shalt  }
0x44: {  	_ =	shalt  }
0x45: {  	_ =	shalt  }
0x46: {  	_ =	shalt  }
0x47: {  	_ =	shalt  }
0x48: {  	_ =	shalt  }
0x49: {  	_ =	shalt  }
0x4a: {  	_ =	shalt  }
0x4b: {  	_ =	shalt  }
0x4c: {  	_ =	shalt  }
0x4d: {  	_ =	shalt  }
0x4e: {  	_ =	shalt  }
0x4f: {  	_ =	shalt  }
0x50: {  	_ =	shalt  }
0x51: {  	_ =	shalt  }
0x52: {  	_ =	shalt  }
0x53: {  	_ =	shalt  }
0x54: {  	_ =	shalt  }
0x55: {  	_ =	shalt  }
0x56: {  	_ =	shalt  }
0x57: {  	_ =	shalt  }
0x58: {  	_ =	shalt  }
0x59: {  	_ =	shalt  }
0x5a: {  	_ =	shalt  }
0x5b: {  	_ =	shalt  }
0x5c: {  	_ =	shalt  }
0x5d: {  	_ =	shalt  }
0x5e: {  	_ =	shalt  }
0x5f: {  	_ =	shalt  }
0x60: {  	_ =	shalt  }
0x61: {  	_ =	shalt  }
0x62: {  	_ =	shalt  }
0x63: {  	_ =	shalt  }
0x64: {  	_ =	shalt  }
0x65: {  	_ =	shalt  }
0x66: {  	_ =	shalt  }
0x67: {  	_ =	shalt  }
0x68: {  	_ =	shalt  }
0x69: {  	_ =	shalt  }
0x6a: {  	_ =	shalt  }
0x6b: {  	_ =	shalt  }
0x6c: {  	_ =	shalt  }
0x6d: {  	_ =	shalt  }
0x6e: {  	_ =	shalt  }
0x6f: {  	_ =	shalt  }
0x70: {  	_ =	shalt  }
0x71: {  	_ =	shalt  }
0x72: {  	_ =	shalt  }
0x73: {  	_ =	shalt  }
0x74: {  	_ =	shalt  }
0x75: {  	_ =	shalt  }
0x76: {  	_ =	shalt  }
0x77: {  	_ =	shalt  }
0x78: {  	_ =	shalt  }
0x79: {  	_ =	shalt  }
0x7a: {  	_ =	shalt  }
0x7b: {  	_ =	shalt  }
0x7c: {  	_ =	shalt  }
0x7d: {  	_ =	shalt  }
0x7e: {  	_ =	shalt  }
0x7f: {  	_ =	shalt  }
0x80: {  	_ =	shalt  }
0x81: {  	_ =	shalt  }
0x82: {  	_ =	shalt  }
0x83: {  	_ =	shalt  }
0x84: {  	_ =	shalt  }
0x85: {  	_ =	shalt  }
0x86: {  	_ =	shalt  }
0x87: {  	_ =	shalt  }
.Lfunc_end0:
.L_simem_size_0:
called_computation.1_lowered:
.L_overlay_start_0:
0x88: {  	s2 =	sld [smem:$0x3FD9]  }
0x89: {  	s3 =	sld [smem:$0x3FFE];
	_ =	sdelay $0x1  }
0x8a: {  	s1 =	srdreg.scid  }
0x8b: {  	s0 =	sand.u32 $0x1, s1  }
0x8c: {  	s17 =	sshll.u32 s0, $0xA;
	s2 =	sadd.s32 s3, s2  }
0x8d: {  	s2 =	sadd.s32 s2, s17  }
0x8e: {  	[smem:$0x3FC2] =	sst s2  }
0x8f: {  	_ = 	snop  }
0x90: {  	s2 =	sld [smem:$0x3FD0];
	(tm) =	ssettm $0x1  }
0x91: {  	s18 =	sld [smem:$0x3FFB];
	_ =	sdelay $0x3  }
0x92: {  	_ =	strace s18  }
0x93: {  	s3 =	sld [smem:$0x3FFC];
	_ =	sdelay $0x3  }
0x94: {  	_ =	strace s3  }
0x95: {  	s3 =	sld [smem:$0x3FFD];
	_ =	sdelay $0x3  }
0x96: {  	_ =	strace s3  }
0x97: {  	_ =	strace $0x8FFFFFFF  }
0x98: {  	s19 =	sld [smem:$0x3FDB];
	_ =	sdelay $0x1  }
0x99: {  	s4 =	simm.s32 $_scs_section_size  }
0x9a: {  	s5 =	simm.s32 $_size__tile_overlayer_lowered;
	s6 =	simm.s32 $_tile_overlayer_lowered  }
0x9b: {  	s22 =	simm.s32 $0x1BFF;
	s21 =	sshll.u32 s6, $0x1;
	s3 =	sadd.s32 s4, s19  }
0x9c: {  	s7 =	simm.s32 $0x0;
	s20 =	sshll.u32 s5, $0x1;
	s5 =	sadd.s32 s21, s3  }
0x9d: {  	[timem:s7], [sflag:s22] =	dma.local [hbm:s5], s20  }
0x9e: {  	_ =	swait.ge [sflag:s22], s20  }
0x9f: {  	s4 =	ssub.s32 $0x0, s20;
	[sflag:s22] =	ssyncset.done $0x0  }
0xa0: {  	[sflag:s22] =	ssyncadd.s32 s4;
	_ =	sdelay $0x1  }
0xa1: {  	s23 =	simm.s32 $0x1B8B  }
0xa2: {  	_ =	swait.ge [sflag:s23], $0x1  }
0xa3: {  	[sflag:s23] =	ssyncset.done $0x0  }
0xa4: {  	s25 =	simm.s32 $0x1B8E;
	s24 =	sld [smem:$0x3FFE];
	[sflag:s23] =	ssyncadd.s32 $0xFFFFFFFF  }
0xa5: {  	s26 =	simm.s32 $execute0_lowered;
	[smem:$0x3FD2] =	sst s25  }
0xa6: {  	s5 =	sshll.u32 s26, $0x1;
	_ =	strace $0x80000049;
	[dreg:$0x1] =	wrdreg $0xFFFFFFFF  }
0xa7: {  	s28 =	simm.s32 $_size_execute0_lowered;
	s3 =	sadd.s32 s3, s5;
	[dreg:$0x0] =	wrdreg $0x0  }
0xa8: {  	s5 =	sshll.u32 s28, $0x1;
	[dreg:$0x2] =	wrdreg s3  }
0xa9: {  	[dreg:$0x3] =	wrdreg s5  }
0xaa: {  	[dreg:$0x4] =	wrdreg $0xC0  }
0xab: {  	_ =	task [dreg:s7], $0x5FFFF  }
0xac: {  	[dreg:$0x1] =	wrdreg $0xFFFFFFFF  }
0xad: {  	[dreg:$0x0] =	wrdreg $0x60  }
0xae: {  	[dreg:$0x2] =	wrdreg s2  }
0xaf: {  	[dreg:$0x3] =	wrdreg s24  }
0xb0: {  	[dreg:$0x4] =	wrdreg $0xA8000  }
0xb1: {  	[dreg:$0x5] =	wrdreg $0x9  }
0xb2: {  	_ =	task.clear_ibuf [dreg:s7], $0x6FFFF;
	_ =	strace $0x90000049  }
0xb3: {  	s29 =	simm.s32 $0x9;
	_ =	strace $0x8000004B  }
0xb4: {  	_ =	swait.ge [sflag:s29], $0x1  }
0xb5: {  	[sflag:s29] =	ssyncadd.s32 $0xFFFFFFFF  }
0xb6: {  	_ =	strace $0x9000004B  }
0xb7: {  	_ =	sfence  }
0xb8: {  	s30 =	sld [smem:$0x0];
	_ =	sdelay $0x2  }
0xb9: {  	s31 =	sshll.u32 s1, $0xD;
	s1 =	sshrl.u32 s1, $0x2  }
0xba: {  	s3 =	sand.u32 $0x4000, s31;
	s1 =	sadd.s32 s1, s30  }
0xbb: {  	s0 =	sor.u32 s3, s0;
	s1 =	sshll.u32 s1, $0x11  }
0xbc: {  	s0 =	sor.u32 s1, s0  }
0xbd: {  	s0 =	sadd.s32 $0x8F2B, s0  }
0xbe: {  	[sflag:s0] =	ssyncadd.remote.s32 $0x1  }
0xbf: {  	_ =	sfence.sel $0xFFFF  }
0xc0: {  	[dreg:$0x0] =	wrdreg $0xFFFFFFFF;
	(pc) =	sbr.abs _section_cstart, $3  }
0xc1: {  	[dreg:$0x1] =	wrdreg $0xFFFFFFFF  }
0xc2: {  	_ =	task.clear_ibuf [dreg:s7], $0x2FFFF;
	_ =	strace $0x9FFFFFFF  }
0xc3: {  	(tm) =	ssettm $0x7FFFFFFF  }
tec
execute0_lowered:
.L_overlay_start_1:
0x0: {  	(tag) =	ssettag $0x1  }
0x1: {  	s1 =	rddreg [dreg:$0x0]  }
0x2: {  	s2 =	srdreg.scid;
	s7 =	rddreg [dreg:$0x1]  }
0x3: {  	s0 =	stileid.u32;
	s3 =	rddreg [dreg:$0x2]  }
0x4: {  	s4 =	simm.s32 $0x0;
	s17 =	simm.s32 $0x80;
	s18 =	simm.s32 $0x2800  }
0x5: {  	s19 =	simm.s32 $0x6800;
	s20 =	simm.s32 $0x2;
	s21 =	simm.s32 $0x1380  }
0x6: {  	s22 =	simm.s32 $0x2700;
	s23 =	simm.s32 $0x2780;
	s9 =	smul.u32 $0x50000, s0  }
0x7: {  	s6 =	sand.u32 $0x1, s2;
	s26 =	sshll.u32 s0, $0x1;
	s25 =	smul.u32 $0x2800, s0  }
0x8: {  	[smem:$0x7FF] =	sst s4;
	s2 =	sor.u32 s6, s26;
	s8 =	smul.u32 $0x28000, s6  }
0x9: {  	s30 =	sshll.u32 s0, $0x6;
	s6 =	ssub.s32 $0x2, s6;
	s5 =	smul.u32 $0x500, s2  }
0xa: {  	s2 =	rddreg [dreg:$0x3];
	_ =	strace $0x8000004A;
	s28 =	sshrl.u32 s9, $0x2  }
0xb: {  	s29 =	sshrl.u32 s6, $0x1;
	s11 =	sadd.s32 s8, s7;
	s12 =	sadd.s32 s28, s3  }
0xc: {  	s31 =	ssub.s32 s6, s29;
	s6 =	sor.u32 $0x1C01, s30;
	s10 =	sadd.s32 s5, s7  }
0xd: {  	s5 =	sadd.s32 $0x3E800, s7;
	s13 =	sadd.s32 $0x4000, s12;
	s14 =	sadd.s32 $0x8000, s12  }
0xe: {  	s15 =	sadd.s32 $0xC000, s12;
	s16 =	sadd.s32 $0x10000, s12;
	s24 =	sadd.s32 $0x3F000, s11  }
0xf: {  	s9 =	smax.u32 s31, $0x1;
	s11 =	simm.s32 $0x1;
	s7 =	sadd.s32 $0x2800, s10  }
0x10: {  	s8 =	sadd.s32 $0xC800, s10;
	s10 =	sshrl.u32 s12, $0x3;
	s12 =	sshrl.u32 s13, $0x3  }
0x11: {  	s13 =	sshrl.u32 s14, $0x3;
	s14 =	sshrl.u32 s15, $0x3;
	s15 =	sshrl.u32 s16, $0x3  }
0x12: {  	s16 =	simm.s32 $0x1400;
	s24 =	sadd.s32 s25, s24;
	s25 =	simm.s32 $0x0  }
.LBB2_1:
0x13: {  	[spmem:s10], [sflag:s6] =	dma.local [hbm:s5], $0x800  }
0x14: {  	_ =	swait.ge [sflag:s11], $0x800  }
0x15: {  	[sflag:s11] =	ssyncset.done $0x0  }
0x16: {  	[sflag:s11] =	ssyncadd.s32 $0xFFFFF800  }
0x17: {  	[spmem:s12], [sflag:s6] =	dma.local [hbm:s5], $0x800  }
0x18: {  	_ =	swait.ge [sflag:s11], $0x800  }
0x19: {  	[sflag:s11] =	ssyncset.done $0x0  }
0x1a: {  	[sflag:s11] =	ssyncadd.s32 $0xFFFFF800  }
0x1b: {  	[spmem:s13], [sflag:s6] =	dma.local [hbm:s5], $0x800  }
0x1c: {  	_ =	swait.ge [sflag:s11], $0x800  }
0x1d: {  	[sflag:s11] =	ssyncset.done $0x0  }
0x1e: {  	[sflag:s11] =	ssyncadd.s32 $0xFFFFF800  }
0x1f: {  	[spmem:s14], [sflag:s6] =	dma.local [hbm:s5], $0x800  }
0x20: {  	_ =	swait.ge [sflag:s11], $0x800  }
0x21: {  	[sflag:s11] =	ssyncset.done $0x0  }
0x22: {  	[sflag:s11] =	ssyncadd.s32 $0xFFFFF800  }
0x23: {  	[spmem:s15], [sflag:s6] =	dma.local [hbm:s5], $0x800  }
0x24: {  	_ =	swait.ge [sflag:s11], $0x800  }
0x25: {  	[sflag:s11] =	ssyncset.done $0x0  }
0x26: {  	[sflag:s11] =	ssyncadd.s32 $0xFFFFF800  }
0x27: {  	[bflag:$0x0] =	sbarrier.arrive $0xFFFF  }
0x28: {  	[tilespmem:s4], [sflag:$0x1] =	stream.linear.gather [hbm4b:s7+s4], $0x1400, $0x38;
	[tilespmem:$0x1E800] =	vst v63  }
0x29: {  	_ =	swait.ge [sflag:s11], $0x1400  }
0x2a: {  	[sflag:s11] =	ssyncset.done $0x0  }
0x2b: {  	[sflag:s11] =	ssyncadd.s32 $0xFFFFEC00  }
0x2c: {  	[tilespmem:s16], [sflag:$0x1] =	stream.linear.gather [hbm4b:s8+s4], $0x1400, $0x38;
	[tilespmem:$0x1E800] =	vst v63  }
0x2d: {  	_ =	swait.ge [sflag:s11], $0x1400  }
0x2e: {  	[sflag:s11] =	ssyncset.done $0x0  }
0x2f: {  	[sflag:s11] =	ssyncadd.s32 $0xFFFFEC00  }
0x30: {  	[tilespmem:s18], [sflag:$0x1] =	stream.indirect.gather [hbm4b:s1+s17], $0x80, s4, s17, $0xb8;
	[tilespmem:$0x1E800] =	vst v63  }
0x31: {  	_ =	swait.ge [sflag:s11], $0x4000  }
0x32: {  	[sflag:s11] =	ssyncset.done $0x0  }
0x33: {  	s26 =	simm.s32 $0x80;
	[sflag:s11] =	ssyncadd.s32 $0xFFFFC000  }
0x34: {  	[tilespmem:s19], [sflag:$0x1] =	stream.indirect.gather [hbm4b:s1+s17], $0x80, s26, s17, $0xb8;
	[tilespmem:$0x1E800] =	vst v63  }
0x35: {  	s29 =	simm.s32 $0x1400  }
0x36: {  	[spmem:s3] =	stream.indirect.scatter.add.f32 [tilespmem:s18], [sflag:$0x2], $0x80, s29, s17, $0xb8;
	[tilespmem:$0x1E800] =	vst v63  }
0x37: {  	_ =	swait.ge [sflag:s20], $0x4000  }
0x38: {  	[sflag:s20] =	ssyncset.done $0x0  }
0x39: {  	[sflag:s20] =	ssyncadd.s32 $0xFFFFC000  }
0x3a: {  	_ =	swait.ge [sflag:s11], $0x4000  }
0x3b: {  	[sflag:s11] =	ssyncset.done $0x0  }
0x3c: {  	s30 =	simm.s32 $0x100;
	[sflag:s11] =	ssyncadd.s32 $0xFFFFC000  }
0x3d: {  	[tilespmem:s18], [sflag:$0x1] =	stream.indirect.gather [hbm4b:s1+s17], $0x80, s30, s17, $0xb8;
	[tilespmem:$0x1E800] =	vst v63  }
0x3e: {  	s31 =	simm.s32 $0x1480  }
0x3f: {  	[spmem:s3] =	stream.indirect.scatter.add.f32 [tilespmem:s19], [sflag:$0x2], $0x80, s31, s17, $0xb8;
	[tilespmem:$0x1E800] =	vst v63  }
0x40: {  	_ =	swait.ge [sflag:s20], $0x4000  }
0x41: {  	s26 =	simm.s32 $0x400;
	[sflag:s20] =	ssyncset.done $0x0  }
.LBB2_2:
0x42: {  	p0 =	sne.s32 s26, $0x4800  }
0x43: {  	[sflag:s20] =	ssyncadd.s32 $0xFFFFC000;
	s28 =	smov.u32 s26;
	s26 =	sadd.s32 $0x400, s26  }
0x44: {  	_ = 	snop  }
0x45: {  	_ =	swait.ge [sflag:s11], $0x4000  }
0x46: {  	s28 =	sshra.s32 s28, $0x2;
	[sflag:s11] =	ssyncset.done $0x0  }
0x47: {  	s29 =	sadd.s32 $0x80, s28;
	[sflag:s11] =	ssyncadd.s32 $0xFFFFC000  }
0x48: {  	[tilespmem:s19], [sflag:$0x1] =	stream.indirect.gather [hbm4b:s1+s17], $0x80, s29, s17, $0xb8;
	[tilespmem:$0x1E800] =	vst v63  }
0x49: {  	s29 =	sadd.s32 $0x1400, s28  }
0x4a: {  	[spmem:s3] =	stream.indirect.scatter.add.f32 [tilespmem:s18], [sflag:$0x2], $0x80, s29, s17, $0xb8;
	[tilespmem:$0x1E800] =	vst v63  }
0x4b: {  	_ =	swait.ge [sflag:s20], $0x4000  }
0x4c: {  	[sflag:s20] =	ssyncset.done $0x0  }
0x4d: {  	[sflag:s20] =	ssyncadd.s32 $0xFFFFC000  }
0x4e: {  	_ =	swait.ge [sflag:s11], $0x4000  }
0x4f: {  	[sflag:s11] =	ssyncset.done $0x0  }
0x50: {  	s29 =	sadd.s32 $0x100, s28;
	[sflag:s11] =	ssyncadd.s32 $0xFFFFC000  }
0x51: {  	[tilespmem:s18], [sflag:$0x1] =	stream.indirect.gather [hbm4b:s1+s17], $0x80, s29, s17, $0xb8;
	[tilespmem:$0x1E800] =	vst v63  }
.Ltmp0:
0x52: {  	_ = 	snop;
	(pc) =	sbr.rel @p0 .LBB2_2-.Ltmp0, $4  }
0x53: {  	s28 =	sadd.s32 $0x1480, s28  }
0x54: {  	[spmem:s3] =	stream.indirect.scatter.add.f32 [tilespmem:s19], [sflag:$0x2], $0x80, s28, s17, $0xb8;
	[tilespmem:$0x1E800] =	vst v63  }
0x55: {  	_ =	swait.ge [sflag:s20], $0x4000  }
0x56: {  	[sflag:s20] =	ssyncset.done $0x0  }
0x57: {  	[sflag:s20] =	ssyncadd.s32 $0xFFFFC000  }
0x58: {  	_ =	swait.ge [sflag:s11], $0x4000  }
0x59: {  	[sflag:s11] =	ssyncset.done $0x0  }
0x5a: {  	[sflag:s11] =	ssyncadd.s32 $0xFFFFC000  }
0x5b: {  	[tilespmem:s19], [sflag:$0x1] =	stream.indirect.gather [hbm4b:s1+s17], $0x80, s21, s17, $0xb8;
	[tilespmem:$0x1E800] =	vst v63  }
0x5c: {  	_ = 	snop  }
0x5d: {  	[spmem:s3] =	stream.indirect.scatter.add.f32 [tilespmem:s18], [sflag:$0x2], $0x80, s22, s17, $0xb8;
	[tilespmem:$0x1E800] =	vst v63  }
0x5e: {  	_ =	swait.ge [sflag:s20], $0x4000  }
0x5f: {  	[sflag:s20] =	ssyncset.done $0x0  }
0x60: {  	[sflag:s20] =	ssyncadd.s32 $0xFFFFC000  }
0x61: {  	_ =	swait.ge [sflag:s11], $0x4000  }
0x62: {  	[sflag:s11] =	ssyncset.done $0x0  }
0x63: {  	[sflag:s11] =	ssyncadd.s32 $0xFFFFC000  }
0x64: {  	[spmem:s3] =	stream.indirect.scatter.add.f32 [tilespmem:s19], [sflag:$0x2], $0x80, s23, s17, $0xb8;
	[tilespmem:$0x1E800] =	vst v63  }
0x65: {  	_ =	swait.ge [sflag:s20], $0x4000  }
0x66: {  	[sflag:s20] =	ssyncset.done $0x0  }
0x67: {  	s26 =	sadd.s32 $0x280, s7;
	s28 =	simm.s32 $0x0;
	[sflag:s20] =	ssyncadd.s32 $0xFFFFC000  }
0x68: {  	[tilespmem:s28], [sflag:$0x1] =	stream.linear.gather [hbm4b:s26+s28], $0x1400, $0x38;
	[tilespmem:$0x1E800] =	vst v63  }
0x69: {  	_ =	swait.ge [sflag:s11], $0x1400  }
0x6a: {  	[sflag:s11] =	ssyncset.done $0x0  }
0x6b: {  	s31 =	sadd.s32 $0x280, s8;
	[sflag:s11] =	ssyncadd.s32 $0xFFFFEC00  }
0x6c: {  	[tilespmem:s16], [sflag:$0x1] =	stream.linear.gather [hbm4b:s31+s28], $0x1400, $0x38;
	[tilespmem:$0x1E800] =	vst v63  }
0x6d: {  	_ =	swait.ge [sflag:s11], $0x1400  }
0x6e: {  	[sflag:s11] =	ssyncset.done $0x0  }
0x6f: {  	[sflag:s11] =	ssyncadd.s32 $0xFFFFEC00  }
0x70: {  	[tilespmem:s18], [sflag:$0x1] =	stream.indirect.gather [hbm4b:s1+s17], $0x80, s28, s17, $0xb8;
	[tilespmem:$0x1E800] =	vst v63  }
0x71: {  	_ =	swait.ge [sflag:s11], $0x4000  }
0x72: {  	[sflag:s11] =	ssyncset.done $0x0  }
0x73: {  	s28 =	simm.s32 $0x80;
	[sflag:s11] =	ssyncadd.s32 $0xFFFFC000  }
0x74: {  	[tilespmem:s19], [sflag:$0x1] =	stream.indirect.gather [hbm4b:s1+s17], $0x80, s28, s17, $0xb8;
	[tilespmem:$0x1E800] =	vst v63  }
0x75: {  	s29 =	simm.s32 $0x1400  }
0x76: {  	[spmem:s3] =	stream.indirect.scatter.add.f32 [tilespmem:s18], [sflag:$0x2], $0x80, s29, s17, $0xb8;
	[tilespmem:$0x1E800] =	vst v63  }
0x77: {  	_ =	swait.ge [sflag:s20], $0x4000  }
0x78: {  	[sflag:s20] =	ssyncset.done $0x0  }
0x79: {  	[sflag:s20] =	ssyncadd.s32 $0xFFFFC000  }
0x7a: {  	_ =	swait.ge [sflag:s11], $0x4000  }
0x7b: {  	[sflag:s11] =	ssyncset.done $0x0  }
0x7c: {  	s30 =	simm.s32 $0x100;
	[sflag:s11] =	ssyncadd.s32 $0xFFFFC000  }
0x7d: {  	[tilespmem:s18], [sflag:$0x1] =	stream.indirect.gather [hbm4b:s1+s17], $0x80, s30, s17, $0xb8;
	[tilespmem:$0x1E800] =	vst v63  }
0x7e: {  	s31 =	simm.s32 $0x1480  }
0x7f: {  	[spmem:s3] =	stream.indirect.scatter.add.f32 [tilespmem:s19], [sflag:$0x2], $0x80, s31, s17, $0xb8;
	[tilespmem:$0x1E800] =	vst v63  }
0x80: {  	_ =	swait.ge [sflag:s20], $0x4000  }
0x81: {  	s26 =	simm.s32 $0x400;
	[sflag:s20] =	ssyncset.done $0x0  }
.LBB2_4:
0x82: {  	p0 =	sne.s32 s26, $0x4800  }
0x83: {  	[sflag:s20] =	ssyncadd.s32 $0xFFFFC000;
	s28 =	smov.u32 s26;
	s26 =	sadd.s32 $0x400, s26  }
0x84: {  	_ = 	snop  }
0x85: {  	_ =	swait.ge [sflag:s11], $0x4000  }
0x86: {  	s28 =	sshra.s32 s28, $0x2;
	[sflag:s11] =	ssyncset.done $0x0  }
0x87: {  	s29 =	sadd.s32 $0x80, s28;
	[sflag:s11] =	ssyncadd.s32 $0xFFFFC000  }
0x88: {  	[tilespmem:s19], [sflag:$0x1] =	stream.indirect.gather [hbm4b:s1+s17], $0x80, s29, s17, $0xb8;
	[tilespmem:$0x1E800] =	vst v63  }
0x89: {  	s29 =	sadd.s32 $0x1400, s28  }
0x8a: {  	[spmem:s3] =	stream.indirect.scatter.add.f32 [tilespmem:s18], [sflag:$0x2], $0x80, s29, s17, $0xb8;
	[tilespmem:$0x1E800] =	vst v63  }
0x8b: {  	_ =	swait.ge [sflag:s20], $0x4000  }
0x8c: {  	[sflag:s20] =	ssyncset.done $0x0  }
0x8d: {  	[sflag:s20] =	ssyncadd.s32 $0xFFFFC000  }
0x8e: {  	_ =	swait.ge [sflag:s11], $0x4000  }
0x8f: {  	[sflag:s11] =	ssyncset.done $0x0  }
0x90: {  	s29 =	sadd.s32 $0x100, s28;
	[sflag:s11] =	ssyncadd.s32 $0xFFFFC000  }
0x91: {  	[tilespmem:s18], [sflag:$0x1] =	stream.indirect.gather [hbm4b:s1+s17], $0x80, s29, s17, $0xb8;
	[tilespmem:$0x1E800] =	vst v63  }
.Ltmp1:
0x92: {  	_ = 	snop;
	(pc) =	sbr.rel @p0 .LBB2_4-.Ltmp1, $4  }
0x93: {  	s28 =	sadd.s32 $0x1480, s28  }
0x94: {  	[spmem:s3] =	stream.indirect.scatter.add.f32 [tilespmem:s19], [sflag:$0x2], $0x80, s28, s17, $0xb8;
	[tilespmem:$0x1E800] =	vst v63  }
0x95: {  	_ =	swait.ge [sflag:s20], $0x4000  }
0x96: {  	[sflag:s20] =	ssyncset.done $0x0  }
0x97: {  	[sflag:s20] =	ssyncadd.s32 $0xFFFFC000  }
0x98: {  	_ =	swait.ge [sflag:s11], $0x4000  }
0x99: {  	[sflag:s11] =	ssyncset.done $0x0  }
0x9a: {  	[sflag:s11] =	ssyncadd.s32 $0xFFFFC000  }
0x9b: {  	[tilespmem:s19], [sflag:$0x1] =	stream.indirect.gather [hbm4b:s1+s17], $0x80, s21, s17, $0xb8;
	[tilespmem:$0x1E800] =	vst v63  }
0x9c: {  	_ = 	snop  }
0x9d: {  	[spmem:s3] =	stream.indirect.scatter.add.f32 [tilespmem:s18], [sflag:$0x2], $0x80, s22, s17, $0xb8;
	[tilespmem:$0x1E800] =	vst v63  }
0x9e: {  	_ =	swait.ge [sflag:s20], $0x4000  }
0x9f: {  	[sflag:s20] =	ssyncset.done $0x0  }
0xa0: {  	[sflag:s20] =	ssyncadd.s32 $0xFFFFC000  }
0xa1: {  	_ =	swait.ge [sflag:s11], $0x4000  }
0xa2: {  	[sflag:s11] =	ssyncset.done $0x0  }
0xa3: {  	[sflag:s11] =	ssyncadd.s32 $0xFFFFC000  }
0xa4: {  	[spmem:s3] =	stream.indirect.scatter.add.f32 [tilespmem:s19], [sflag:$0x2], $0x80, s23, s17, $0xb8;
	[tilespmem:$0x1E800] =	vst v63  }
0xa5: {  	_ =	swait.ge [sflag:s20], $0x4000  }
0xa6: {  	s25 =	sadd.s32 $0x1, s25;
	[sflag:s20] =	ssyncset.done $0x0  }
0xa7: {  	p0 =	sne.s32 s25, s9;
	[sflag:s20] =	ssyncadd.s32 $0xFFFFC000  }
.Ltmp2:
0xa8: {  	[bflag:$0x0] =	sbarrier.arrive $0xFFFF;
	(pc) =	sbr.rel @p0 .LBB2_1-.Ltmp2, $4  }
0xa9: {  	[hbm:s24], [sflag:s6] =	dma.local [spmem:s10], $0x2800  }
0xaa: {  	_ =	swait.ge [sflag:s11], $0x2800  }
0xab: {  	[sflag:s11] =	ssyncset.done $0x0  }
0xac: {  	[sflag:s11] =	ssyncadd.s32 $0xFFFFD800  }
0xad: {  	_ =	sfence.sel $0x180000  }
0xae: {  	[bflag:$0x0] =	sbarrier.arrive $0xFFFF  }
0xaf: {  	p0 =	sne.s32 s0, $0x0;
	_ =	strace $0x9000004A  }
0xb0: {  	s0 =	sadd.s32 @!p0 $0x100000, s2;
	[bflag:$0x2] =	sbarrier.arrive $0xFFFF  }
0xb1: {  	[sflag:s0] =	ssyncadd.tile.s32 @!p0 $0x1;
	_ =	shalt  }
.Lfunc_end2:
_tile_overlayer_lowered:
.L_overlay_start_2:
0xb2: {  	(tag) =	ssettag $0x2  }
0xb3: {  	s0 =	rddreg [dreg:$0x0];
	s2 =	stileid.u32  }
0xb4: {  	s1 =	rddreg [dreg:$0x1];
	p0 =	sne.s32 s2, $0x0  }
0xb5: {  	s3 =	rddreg [dreg:$0x2];
	[bflag:$0x3] =	sbarrier.arrive $0xFFFF;
	s2 =	simm.s32 @!p0 $0x1C02  }
0xb6: {  	[timem:s3], [sflag:s2] =	dma.local @!p0 [hbm:s0], s1  }
0xb7: {  	s0 =	simm.s32 @!p0 $0x2  }
0xb8: {  	_ =	swait.ge @!p0 [sflag:s0], s1  }
0xb9: {  	s1 =	ssub.s32 @!p0 $0x0, s1;
	[sflag:s0] =	ssyncset.done @!p0 $0x0  }
0xba: {  	[sflag:s0] =	ssyncadd.s32 @!p0 s1  }
0xbb: {  	[bflag:$0x3] =	sbarrier.arrive $0xFFFF  }
0xbc: {  	_ =	shalt  }

// kernel: kernel.14.cloned.1.call-start
scs
__scs_entry_jumppad:
0x0: {  	(pc) =	sbr.rel $0x88, $3  }
0x1: {  	(tag) =	ssettag $0x0;
	lr =	simm.s32 $0x1  }
0x2: {  	[smem:$0x3F9B] =	sst lr;
	_ =	strace $0xD0000000  }
0x3: {  	_ = 	snop  }
0x4: {  	_ = 	snop  }
0x5: {  	_ = 	snop  }
0x6: {  	_ = 	snop  }
0x7: {  	_ = 	snop  }
__scs_overlays_trampoline_lowered:
0x8: {  	[smem:$0x3FAA] =	sst s0  }
0x9: {  	[smem:$0x3FAB] =	sst s1  }
0xa: {  	[smem:$0x3FAC] =	sst s2  }
0xb: {  	[smem:$0x3FAD] =	sst s3  }
0xc: {  	[smem:$0x3FAE] =	sst s4  }
0xd: {  	[smem:$0x3FAF] =	sst s5  }
0xe: {  	[smem:$0x3FB0] =	sst s6  }
0xf: {  	[smem:$0x3FB1] =	sst s7  }
0x10: {  	[smem:$0x3FB2] =	sst s8  }
0x11: {  	[smem:$0x3FB3] =	sst s9;
	s0 =	simm.s32 @!p0 $0x0  }
0x12: {  	s1 =	sld [smem:$0x3F99];
	s0 =	simm.s32 @p0 $0x1  }
0x13: {  	[smem:$0x3FB4] =	sst s0;
	s0 =	simm.s32 @!p1 $0x0  }
0x14: {  	s2 =	sld [smem:$0x3F98];
	s0 =	simm.s32 @p1 $0x1  }
0x15: {  	[smem:$0x3FB5] =	sst s0;
	s0 =	simm.s32 @!p2 $0x0  }
0x16: {  	s3 =	sld [smem:$0x3FDB];
	s0 =	simm.s32 @p2 $0x1  }
0x17: {  	s4 =	simm.s32 $0x1BF5;
	[smem:$0x3FB7] =	sst s0  }
0x18: {  	s0 =	sld [smem:$0x3F9A];
	_ =	swait.ge [sflag:s4], $0x0  }
0x19: {  	s7 =	sld [smem:$0x3F9B]  }
0x1a: {  	s8 =	sadd.s32 $0xFFFFE003, lr  }
0x1b: {  	s9 =	sadd.s32 $0xFFFFFEF7, lr;
	s5 =	simm.s32 $0xFFFFFFFF;
	p2 =	slt.u32 s8, $0xFFFFF086  }
0x1c: {  	p1 =	slt.u32 s9, $0xF7A;
	s5 =	simm.s32 @!p2 $0x0  }
0x1d: {  	s5 =	simm.s32 @p1 $0x1;
	p0 =	seq.s32 s7, s2  }
0x1e: {  	s7 =	smul.u32 @!p0 $0xF7A, s2;
	p2 =	seq.s32 @!p0 s5, $0x0  }
0x1f: {  	s9 =	smul.u32 $0xF7A, s1;
	s8 =	simm.s32 @!p0 $0x1BF5;
	p2 =	por !p2, p0  }
0x20: {  	[sflag:s8] =	ssyncset.s32 @!p0 $0xFFFFF086;
	s6 =	sadd.s32 @!p0 s3, s7;
	s7 =	simm.s32 @!p0 $0x108  }
0x21: {  	s3 =	sadd.s32 s3, s9;
	s6 =	sadd.s32 @!p0 $0x88, s6;
	s7 =	simm.s32 @p2 $0x1082  }
0x22: {  	[simem:s7], [sflag:s8] =	dma.local @!p0 [hbm:s6], $0xF7A  }
0x23: {  	s9 =	sor.u32 $0xD0000000, s2;
	s6 =	simm.s32 $0x108;
	_ =	swait.ge @!p0 [sflag:s8], $0x0  }
0x24: {  	s3 =	sadd.s32 $0x88, s3;
	s6 =	simm.s32 @!p1 $0x1082;
	[sflag:s4] =	ssyncset.s32 $0xFFFFF086  }
0x25: {  	[simem:s6], [sflag:s4] =	dma.local [hbm:s3], $0xF7A  }
0x26: {  	[smem:$0x3F9B] =	sst s1;
	(tag) =	ssettag s2;
	_ =	strace s9  }
0x27: {  	s1 =	sld [smem:$0x3FAB]  }
0x28: {  	s2 =	sld [smem:$0x3FAC]  }
0x29: {  	s4 =	sld [smem:$0x3FAE]  }
0x2a: {  	p0 =	seq.s32 s5, $0x0;
	s5 =	sld [smem:$0x3FAF]  }
0x2b: {  	s6 =	sld [smem:$0x3FB0]  }
0x2c: {  	s7 =	sld [smem:$0x3FB1]  }
0x2d: {  	s3 =	simm.s32 $0x108;
	s8 =	sld [smem:$0x3FB2]  }
0x2e: {  	s3 =	simm.s32 @!p0 $0x1082;
	s9 =	sld [smem:$0x3FB3]  }
0x2f: {  	lr =	sadd.s32 s0, s3;
	s0 =	sld [smem:$0x3FAA]  }
0x30: {  	s3 =	sld [smem:$0x3FAD]  }
0x31: {  	[smem:$0x3FB6] =	sst s10  }
0x32: {  	s10 =	sld [smem:$0x3FB4];
	_ =	sdelay $0x3  }
0x33: {  	p0 =	seq.s32 s10, $0x1;
	s10 =	sld [smem:$0x3FB6];
	_ =	sdelay $0x3  }
0x34: {  	[smem:$0x3FB6] =	sst s10  }
0x35: {  	s10 =	sld [smem:$0x3FB5];
	_ =	sdelay $0x3  }
0x36: {  	p1 =	seq.s32 s10, $0x1;
	s10 =	sld [smem:$0x3FB6];
	_ =	sdelay $0x3  }
0x37: {  	[smem:$0x3FB6] =	sst s10  }
0x38: {  	s10 =	sld [smem:$0x3FB7]  }
0x39: {  	_ = 	snop;
	(pc) =	sbr.ind lr, $3  }
0x3a: {  	_ = 	snop  }
0x3b: {  	_ = 	snop  }
0x3c: {  	p2 =	seq.s32 s10, $0x1;
	s10 =	sld [smem:$0x3FB6]  }
0x3d: {  	_ =	shalt  }
0x3e: {  	_ =	shalt  }
0x3f: {  	_ =	shalt  }
0x40: {  	_ =	shalt  }
0x41: {  	_ =	shalt  }
0x42: {  	_ =	shalt  }
0x43: {  	_ =	shalt  }
0x44: {  	_ =	shalt  }
0x45: {  	_ =	shalt  }
0x46: {  	_ =	shalt  }
0x47: {  	_ =	shalt  }
0x48: {  	_ =	shalt  }
0x49: {  	_ =	shalt  }
0x4a: {  	_ =	shalt  }
0x4b: {  	_ =	shalt  }
0x4c: {  	_ =	shalt  }
0x4d: {  	_ =	shalt  }
0x4e: {  	_ =	shalt  }
0x4f: {  	_ =	shalt  }
0x50: {  	_ =	shalt  }
0x51: {  	_ =	shalt  }
0x52: {  	_ =	shalt  }
0x53: {  	_ =	shalt  }
0x54: {  	_ =	shalt  }
0x55: {  	_ =	shalt  }
0x56: {  	_ =	shalt  }
0x57: {  	_ =	shalt  }
0x58: {  	_ =	shalt  }
0x59: {  	_ =	shalt  }
0x5a: {  	_ =	shalt  }
0x5b: {  	_ =	shalt  }
0x5c: {  	_ =	shalt  }
0x5d: {  	_ =	shalt  }
0x5e: {  	_ =	shalt  }
0x5f: {  	_ =	shalt  }
0x60: {  	_ =	shalt  }
0x61: {  	_ =	shalt  }
0x62: {  	_ =	shalt  }
0x63: {  	_ =	shalt  }
0x64: {  	_ =	shalt  }
0x65: {  	_ =	shalt  }
0x66: {  	_ =	shalt  }
0x67: {  	_ =	shalt  }
0x68: {  	_ =	shalt  }
0x69: {  	_ =	shalt  }
0x6a: {  	_ =	shalt  }
0x6b: {  	_ =	shalt  }
0x6c: {  	_ =	shalt  }
0x6d: {  	_ =	shalt  }
0x6e: {  	_ =	shalt  }
0x6f: {  	_ =	shalt  }
0x70: {  	_ =	shalt  }
0x71: {  	_ =	shalt  }
0x72: {  	_ =	shalt  }
0x73: {  	_ =	shalt  }
0x74: {  	_ =	shalt  }
0x75: {  	_ =	shalt  }
0x76: {  	_ =	shalt  }
0x77: {  	_ =	shalt  }
0x78: {  	_ =	shalt  }
0x79: {  	_ =	shalt  }
0x7a: {  	_ =	shalt  }
0x7b: {  	_ =	shalt  }
0x7c: {  	_ =	shalt  }
0x7d: {  	_ =	shalt  }
0x7e: {  	_ =	shalt  }
0x7f: {  	_ =	shalt  }
0x80: {  	_ =	shalt  }
0x81: {  	_ =	shalt  }
0x82: {  	_ =	shalt  }
0x83: {  	_ =	shalt  }
0x84: {  	_ =	shalt  }
0x85: {  	_ =	shalt  }
0x86: {  	_ =	shalt  }
0x87: {  	_ =	shalt  }
.Lfunc_end0:
.L_simem_size_0:
called_computation.2_lowered:
.L_overlay_start_0:
0x88: {  	s2 =	sld [smem:$0x3FD9]  }
0x89: {  	s3 =	sld [smem:$0x3FFE];
	_ =	sdelay $0x1  }
0x8a: {  	s1 =	srdreg.scid  }
0x8b: {  	s0 =	sand.u32 $0x1, s1  }
0x8c: {  	s17 =	sshll.u32 s0, $0xA;
	s2 =	sadd.s32 s3, s2  }
0x8d: {  	s2 =	sadd.s32 s2, s17  }
0x8e: {  	[smem:$0x3FC2] =	sst s2  }
0x8f: {  	_ = 	snop  }
0x90: {  	s2 =	sld [smem:$0x3FD0];
	(tm) =	ssettm $0x1  }
0x91: {  	s18 =	sld [smem:$0x3FFB];
	_ =	sdelay $0x3  }
0x92: {  	_ =	strace s18  }
0x93: {  	s3 =	sld [smem:$0x3FFC];
	_ =	sdelay $0x3  }
0x94: {  	_ =	strace s3  }
0x95: {  	s3 =	sld [smem:$0x3FFD];
	_ =	sdelay $0x3  }
0x96: {  	_ =	strace s3  }
0x97: {  	_ =	strace $0x8FFFFFFF  }
0x98: {  	s19 =	sld [smem:$0x3FDB];
	_ =	sdelay $0x1  }
0x99: {  	s4 =	simm.s32 $_scs_section_size  }
0x9a: {  	s5 =	simm.s32 $_size__tile_overlayer_lowered;
	s6 =	simm.s32 $_tile_overlayer_lowered  }
0x9b: {  	s22 =	simm.s32 $0x1BFF;
	s21 =	sshll.u32 s6, $0x1;
	s3 =	sadd.s32 s4, s19  }
0x9c: {  	s7 =	simm.s32 $0x0;
	s20 =	sshll.u32 s5, $0x1;
	s5 =	sadd.s32 s21, s3  }
0x9d: {  	[timem:s7], [sflag:s22] =	dma.local [hbm:s5], s20  }
0x9e: {  	_ =	swait.ge [sflag:s22], s20  }
0x9f: {  	s4 =	ssub.s32 $0x0, s20;
	[sflag:s22] =	ssyncset.done $0x0  }
0xa0: {  	[sflag:s22] =	ssyncadd.s32 s4;
	_ =	sdelay $0x1  }
0xa1: {  	s23 =	simm.s32 $0x1B8B  }
0xa2: {  	_ =	swait.ge [sflag:s23], $0x1  }
0xa3: {  	[sflag:s23] =	ssyncset.done $0x0  }
0xa4: {  	s25 =	simm.s32 $0x1B8E;
	s24 =	sld [smem:$0x3FFE];
	[sflag:s23] =	ssyncadd.s32 $0xFFFFFFFF  }
0xa5: {  	s26 =	simm.s32 $execute0_lowered;
	[smem:$0x3FD2] =	sst s25  }
0xa6: {  	s5 =	sshll.u32 s26, $0x1;
	_ =	strace $0x8000004C;
	[dreg:$0x1] =	wrdreg $0xFFFFFFFF  }
0xa7: {  	s28 =	simm.s32 $_size_execute0_lowered;
	s3 =	sadd.s32 s3, s5;
	[dreg:$0x0] =	wrdreg $0x0  }
0xa8: {  	s5 =	sshll.u32 s28, $0x1;
	[dreg:$0x2] =	wrdreg s3  }
0xa9: {  	[dreg:$0x3] =	wrdreg s5  }
0xaa: {  	[dreg:$0x4] =	wrdreg $0xC0  }
0xab: {  	_ =	task [dreg:s7], $0x5FFFF  }
0xac: {  	[dreg:$0x1] =	wrdreg $0xFFFFFFFF  }
0xad: {  	[dreg:$0x0] =	wrdreg $0x60  }
0xae: {  	[dreg:$0x2] =	wrdreg s2  }
0xaf: {  	[dreg:$0x3] =	wrdreg s24  }
0xb0: {  	[dreg:$0x4] =	wrdreg $0xA8000  }
0xb1: {  	[dreg:$0x5] =	wrdreg $0x9  }
0xb2: {  	_ =	task.clear_ibuf [dreg:s7], $0x6FFFF;
	_ =	strace $0x9000004C  }
0xb3: {  	s29 =	simm.s32 $0x9;
	_ =	strace $0x8000004E  }
0xb4: {  	_ =	swait.ge [sflag:s29], $0x1  }
0xb5: {  	[sflag:s29] =	ssyncadd.s32 $0xFFFFFFFF  }
0xb6: {  	_ =	strace $0x9000004E  }
0xb7: {  	_ =	sfence  }
0xb8: {  	s30 =	sld [smem:$0x0];
	_ =	sdelay $0x2  }
0xb9: {  	s31 =	sshll.u32 s1, $0xD;
	s1 =	sshrl.u32 s1, $0x2  }
0xba: {  	s3 =	sand.u32 $0x4000, s31;
	s1 =	sadd.s32 s1, s30  }
0xbb: {  	s0 =	sor.u32 s3, s0;
	s1 =	sshll.u32 s1, $0x11  }
0xbc: {  	s0 =	sor.u32 s1, s0  }
0xbd: {  	s0 =	sadd.s32 $0x8F2B, s0  }
0xbe: {  	[sflag:s0] =	ssyncadd.remote.s32 $0x1  }
0xbf: {  	_ =	sfence.sel $0xFFFF  }
0xc0: {  	[dreg:$0x0] =	wrdreg $0xFFFFFFFF;
	(pc) =	sbr.abs _section_cstart, $3  }
0xc1: {  	[dreg:$0x1] =	wrdreg $0xFFFFFFFF  }
0xc2: {  	_ =	task.clear_ibuf [dreg:s7], $0x2FFFF;
	_ =	strace $0x9FFFFFFF  }
0xc3: {  	(tm) =	ssettm $0x7FFFFFFF  }
tec
execute0_lowered:
.L_overlay_start_1:
0x0: {  	(tag) =	ssettag $0x1  }
0x1: {  	s1 =	rddreg [dreg:$0x0]  }
0x2: {  	s2 =	srdreg.scid;
	s7 =	rddreg [dreg:$0x1]  }
0x3: {  	s0 =	stileid.u32;
	s3 =	rddreg [dreg:$0x2]  }
0x4: {  	s4 =	simm.s32 $0x0;
	s17 =	simm.s32 $0x80;
	s18 =	simm.s32 $0x2800  }
0x5: {  	s19 =	simm.s32 $0x6800;
	s20 =	simm.s32 $0x2;
	s21 =	simm.s32 $0x1380  }
0x6: {  	s22 =	simm.s32 $0x2700;
	s23 =	simm.s32 $0x2780;
	s9 =	smul.u32 $0x50000, s0  }
0x7: {  	s6 =	sand.u32 $0x1, s2;
	s26 =	sshll.u32 s0, $0x1;
	s25 =	smul.u32 $0x2800, s0  }
0x8: {  	[smem:$0x7FF] =	sst s4;
	s2 =	sor.u32 s6, s26;
	s8 =	smul.u32 $0x28000, s6  }
0x9: {  	s30 =	sshll.u32 s0, $0x6;
	s6 =	ssub.s32 $0x2, s6;
	s5 =	smul.u32 $0x500, s2  }
0xa: {  	s2 =	rddreg [dreg:$0x3];
	_ =	strace $0x8000004D;
	s28 =	sshrl.u32 s9, $0x2  }
0xb: {  	s29 =	sshrl.u32 s6, $0x1;
	s11 =	sadd.s32 s8, s7;
	s12 =	sadd.s32 s28, s3  }
0xc: {  	s31 =	ssub.s32 s6, s29;
	s6 =	sor.u32 $0x1C01, s30;
	s10 =	sadd.s32 s5, s7  }
0xd: {  	s5 =	sadd.s32 $0x3E800, s7;
	s13 =	sadd.s32 $0x4000, s12;
	s14 =	sadd.s32 $0x8000, s12  }
0xe: {  	s15 =	sadd.s32 $0xC000, s12;
	s16 =	sadd.s32 $0x10000, s12;
	s24 =	sadd.s32 $0x3F000, s11  }
0xf: {  	s9 =	smax.u32 s31, $0x1;
	s11 =	simm.s32 $0x1;
	s7 =	sadd.s32 $0x2800, s10  }
0x10: {  	s8 =	sadd.s32 $0xC800, s10;
	s10 =	sshrl.u32 s12, $0x3;
	s12 =	sshrl.u32 s13, $0x3  }
0x11: {  	s13 =	sshrl.u32 s14, $0x3;
	s14 =	sshrl.u32 s15, $0x3;
	s15 =	sshrl.u32 s16, $0x3  }
0x12: {  	s16 =	simm.s32 $0x1400;
	s24 =	sadd.s32 s25, s24;
	s25 =	simm.s32 $0x0  }
.LBB2_1:
0x13: {  	[spmem:s10], [sflag:s6] =	dma.local [hbm:s5], $0x800  }
0x14: {  	_ =	swait.ge [sflag:s11], $0x800  }
0x15: {  	[sflag:s11] =	ssyncset.done $0x0  }
0x16: {  	[sflag:s11] =	ssyncadd.s32 $0xFFFFF800  }
0x17: {  	[spmem:s12], [sflag:s6] =	dma.local [hbm:s5], $0x800  }
0x18: {  	_ =	swait.ge [sflag:s11], $0x800  }
0x19: {  	[sflag:s11] =	ssyncset.done $0x0  }
0x1a: {  	[sflag:s11] =	ssyncadd.s32 $0xFFFFF800  }
0x1b: {  	[spmem:s13], [sflag:s6] =	dma.local [hbm:s5], $0x800  }
0x1c: {  	_ =	swait.ge [sflag:s11], $0x800  }
0x1d: {  	[sflag:s11] =	ssyncset.done $0x0  }
0x1e: {  	[sflag:s11] =	ssyncadd.s32 $0xFFFFF800  }
0x1f: {  	[spmem:s14], [sflag:s6] =	dma.local [hbm:s5], $0x800  }
0x20: {  	_ =	swait.ge [sflag:s11], $0x800  }
0x21: {  	[sflag:s11] =	ssyncset.done $0x0  }
0x22: {  	[sflag:s11] =	ssyncadd.s32 $0xFFFFF800  }
0x23: {  	[spmem:s15], [sflag:s6] =	dma.local [hbm:s5], $0x800  }
0x24: {  	_ =	swait.ge [sflag:s11], $0x800  }
0x25: {  	[sflag:s11] =	ssyncset.done $0x0  }
0x26: {  	[sflag:s11] =	ssyncadd.s32 $0xFFFFF800  }
0x27: {  	[bflag:$0x0] =	sbarrier.arrive $0xFFFF  }
0x28: {  	[tilespmem:s4], [sflag:$0x1] =	stream.linear.gather [hbm4b:s7+s4], $0x1400, $0x38;
	[tilespmem:$0x1E800] =	vst v63  }
0x29: {  	_ =	swait.ge [sflag:s11], $0x1400  }
0x2a: {  	[sflag:s11] =	ssyncset.done $0x0  }
0x2b: {  	[sflag:s11] =	ssyncadd.s32 $0xFFFFEC00  }
0x2c: {  	[tilespmem:s16], [sflag:$0x1] =	stream.linear.gather [hbm4b:s8+s4], $0x1400, $0x38;
	[tilespmem:$0x1E800] =	vst v63  }
0x2d: {  	_ =	swait.ge [sflag:s11], $0x1400  }
0x2e: {  	[sflag:s11] =	ssyncset.done $0x0  }
0x2f: {  	[sflag:s11] =	ssyncadd.s32 $0xFFFFEC00  }
0x30: {  	[tilespmem:s18], [sflag:$0x1] =	stream.indirect.gather [hbm4b:s1+s17], $0x80, s4, s17, $0xb8;
	[tilespmem:$0x1E800] =	vst v63  }
0x31: {  	_ =	swait.ge [sflag:s11], $0x4000  }
0x32: {  	[sflag:s11] =	ssyncset.done $0x0  }
0x33: {  	s26 =	simm.s32 $0x80;
	[sflag:s11] =	ssyncadd.s32 $0xFFFFC000  }
0x34: {  	[tilespmem:s19], [sflag:$0x1] =	stream.indirect.gather [hbm4b:s1+s17], $0x80, s26, s17, $0xb8;
	[tilespmem:$0x1E800] =	vst v63  }
0x35: {  	s29 =	simm.s32 $0x1400  }
0x36: {  	[spmem:s3] =	stream.indirect.scatter.add.f32 [tilespmem:s18], [sflag:$0x2], $0x80, s29, s17, $0xb8;
	[tilespmem:$0x1E800] =	vst v63  }
0x37: {  	_ =	swait.ge [sflag:s20], $0x4000  }
0x38: {  	[sflag:s20] =	ssyncset.done $0x0  }
0x39: {  	[sflag:s20] =	ssyncadd.s32 $0xFFFFC000  }
0x3a: {  	_ =	swait.ge [sflag:s11], $0x4000  }
0x3b: {  	[sflag:s11] =	ssyncset.done $0x0  }
0x3c: {  	s30 =	simm.s32 $0x100;
	[sflag:s11] =	ssyncadd.s32 $0xFFFFC000  }
0x3d: {  	[tilespmem:s18], [sflag:$0x1] =	stream.indirect.gather [hbm4b:s1+s17], $0x80, s30, s17, $0xb8;
	[tilespmem:$0x1E800] =	vst v63  }
0x3e: {  	s31 =	simm.s32 $0x1480  }
0x3f: {  	[spmem:s3] =	stream.indirect.scatter.add.f32 [tilespmem:s19], [sflag:$0x2], $0x80, s31, s17, $0xb8;
	[tilespmem:$0x1E800] =	vst v63  }
0x40: {  	_ =	swait.ge [sflag:s20], $0x4000  }
0x41: {  	s26 =	simm.s32 $0x400;
	[sflag:s20] =	ssyncset.done $0x0  }
.LBB2_2:
0x42: {  	p0 =	sne.s32 s26, $0x4800  }
0x43: {  	[sflag:s20] =	ssyncadd.s32 $0xFFFFC000;
	s28 =	smov.u32 s26;
	s26 =	sadd.s32 $0x400, s26  }
0x44: {  	_ = 	snop  }
0x45: {  	_ =	swait.ge [sflag:s11], $0x4000  }
0x46: {  	s28 =	sshra.s32 s28, $0x2;
	[sflag:s11] =	ssyncset.done $0x0  }
0x47: {  	s29 =	sadd.s32 $0x80, s28;
	[sflag:s11] =	ssyncadd.s32 $0xFFFFC000  }
0x48: {  	[tilespmem:s19], [sflag:$0x1] =	stream.indirect.gather [hbm4b:s1+s17], $0x80, s29, s17, $0xb8;
	[tilespmem:$0x1E800] =	vst v63  }
0x49: {  	s29 =	sadd.s32 $0x1400, s28  }
0x4a: {  	[spmem:s3] =	stream.indirect.scatter.add.f32 [tilespmem:s18], [sflag:$0x2], $0x80, s29, s17, $0xb8;
	[tilespmem:$0x1E800] =	vst v63  }
0x4b: {  	_ =	swait.ge [sflag:s20], $0x4000  }
0x4c: {  	[sflag:s20] =	ssyncset.done $0x0  }
0x4d: {  	[sflag:s20] =	ssyncadd.s32 $0xFFFFC000  }
0x4e: {  	_ =	swait.ge [sflag:s11], $0x4000  }
0x4f: {  	[sflag:s11] =	ssyncset.done $0x0  }
0x50: {  	s29 =	sadd.s32 $0x100, s28;
	[sflag:s11] =	ssyncadd.s32 $0xFFFFC000  }
0x51: {  	[tilespmem:s18], [sflag:$0x1] =	stream.indirect.gather [hbm4b:s1+s17], $0x80, s29, s17, $0xb8;
	[tilespmem:$0x1E800] =	vst v63  }
.Ltmp0:
0x52: {  	_ = 	snop;
	(pc) =	sbr.rel @p0 .LBB2_2-.Ltmp0, $4  }
0x53: {  	s28 =	sadd.s32 $0x1480, s28  }
0x54: {  	[spmem:s3] =	stream.indirect.scatter.add.f32 [tilespmem:s19], [sflag:$0x2], $0x80, s28, s17, $0xb8;
	[tilespmem:$0x1E800] =	vst v63  }
0x55: {  	_ =	swait.ge [sflag:s20], $0x4000  }
0x56: {  	[sflag:s20] =	ssyncset.done $0x0  }
0x57: {  	[sflag:s20] =	ssyncadd.s32 $0xFFFFC000  }
0x58: {  	_ =	swait.ge [sflag:s11], $0x4000  }
0x59: {  	[sflag:s11] =	ssyncset.done $0x0  }
0x5a: {  	[sflag:s11] =	ssyncadd.s32 $0xFFFFC000  }
0x5b: {  	[tilespmem:s19], [sflag:$0x1] =	stream.indirect.gather [hbm4b:s1+s17], $0x80, s21, s17, $0xb8;
	[tilespmem:$0x1E800] =	vst v63  }
0x5c: {  	_ = 	snop  }
0x5d: {  	[spmem:s3] =	stream.indirect.scatter.add.f32 [tilespmem:s18], [sflag:$0x2], $0x80, s22, s17, $0xb8;
	[tilespmem:$0x1E800] =	vst v63  }
0x5e: {  	_ =	swait.ge [sflag:s20], $0x4000  }
0x5f: {  	[sflag:s20] =	ssyncset.done $0x0  }
0x60: {  	[sflag:s20] =	ssyncadd.s32 $0xFFFFC000  }
0x61: {  	_ =	swait.ge [sflag:s11], $0x4000  }
0x62: {  	[sflag:s11] =	ssyncset.done $0x0  }
0x63: {  	[sflag:s11] =	ssyncadd.s32 $0xFFFFC000  }
0x64: {  	[spmem:s3] =	stream.indirect.scatter.add.f32 [tilespmem:s19], [sflag:$0x2], $0x80, s23, s17, $0xb8;
	[tilespmem:$0x1E800] =	vst v63  }
0x65: {  	_ =	swait.ge [sflag:s20], $0x4000  }
0x66: {  	[sflag:s20] =	ssyncset.done $0x0  }
0x67: {  	s26 =	sadd.s32 $0x280, s7;
	s28 =	simm.s32 $0x0;
	[sflag:s20] =	ssyncadd.s32 $0xFFFFC000  }
0x68: {  	[tilespmem:s28], [sflag:$0x1] =	stream.linear.gather [hbm4b:s26+s28], $0x1400, $0x38;
	[tilespmem:$0x1E800] =	vst v63  }
0x69: {  	_ =	swait.ge [sflag:s11], $0x1400  }
0x6a: {  	[sflag:s11] =	ssyncset.done $0x0  }
0x6b: {  	s31 =	sadd.s32 $0x280, s8;
	[sflag:s11] =	ssyncadd.s32 $0xFFFFEC00  }
0x6c: {  	[tilespmem:s16], [sflag:$0x1] =	stream.linear.gather [hbm4b:s31+s28], $0x1400, $0x38;
	[tilespmem:$0x1E800] =	vst v63  }
0x6d: {  	_ =	swait.ge [sflag:s11], $0x1400  }
0x6e: {  	[sflag:s11] =	ssyncset.done $0x0  }
0x6f: {  	[sflag:s11] =	ssyncadd.s32 $0xFFFFEC00  }
0x70: {  	[tilespmem:s18], [sflag:$0x1] =	stream.indirect.gather [hbm4b:s1+s17], $0x80, s28, s17, $0xb8;
	[tilespmem:$0x1E800] =	vst v63  }
0x71: {  	_ =	swait.ge [sflag:s11], $0x4000  }
0x72: {  	[sflag:s11] =	ssyncset.done $0x0  }
0x73: {  	s28 =	simm.s32 $0x80;
	[sflag:s11] =	ssyncadd.s32 $0xFFFFC000  }
0x74: {  	[tilespmem:s19], [sflag:$0x1] =	stream.indirect.gather [hbm4b:s1+s17], $0x80, s28, s17, $0xb8;
	[tilespmem:$0x1E800] =	vst v63  }
0x75: {  	s29 =	simm.s32 $0x1400  }
0x76: {  	[spmem:s3] =	stream.indirect.scatter.add.f32 [tilespmem:s18], [sflag:$0x2], $0x80, s29, s17, $0xb8;
	[tilespmem:$0x1E800] =	vst v63  }
0x77: {  	_ =	swait.ge [sflag:s20], $0x4000  }
0x78: {  	[sflag:s20] =	ssyncset.done $0x0  }
0x79: {  	[sflag:s20] =	ssyncadd.s32 $0xFFFFC000  }
0x7a: {  	_ =	swait.ge [sflag:s11], $0x4000  }
0x7b: {  	[sflag:s11] =	ssyncset.done $0x0  }
0x7c: {  	s30 =	simm.s32 $0x100;
	[sflag:s11] =	ssyncadd.s32 $0xFFFFC000  }
0x7d: {  	[tilespmem:s18], [sflag:$0x1] =	stream.indirect.gather [hbm4b:s1+s17], $0x80, s30, s17, $0xb8;
	[tilespmem:$0x1E800] =	vst v63  }
0x7e: {  	s31 =	simm.s32 $0x1480  }
0x7f: {  	[spmem:s3] =	stream.indirect.scatter.add.f32 [tilespmem:s19], [sflag:$0x2], $0x80, s31, s17, $0xb8;
	[tilespmem:$0x1E800] =	vst v63  }
0x80: {  	_ =	swait.ge [sflag:s20], $0x4000  }
0x81: {  	s26 =	simm.s32 $0x400;
	[sflag:s20] =	ssyncset.done $0x0  }
.LBB2_4:
0x82: {  	p0 =	sne.s32 s26, $0x4800  }
0x83: {  	[sflag:s20] =	ssyncadd.s32 $0xFFFFC000;
	s28 =	smov.u32 s26;
	s26 =	sadd.s32 $0x400, s26  }
0x84: {  	_ = 	snop  }
0x85: {  	_ =	swait.ge [sflag:s11], $0x4000  }
0x86: {  	s28 =	sshra.s32 s28, $0x2;
	[sflag:s11] =	ssyncset.done $0x0  }
0x87: {  	s29 =	sadd.s32 $0x80, s28;
	[sflag:s11] =	ssyncadd.s32 $0xFFFFC000  }
0x88: {  	[tilespmem:s19], [sflag:$0x1] =	stream.indirect.gather [hbm4b:s1+s17], $0x80, s29, s17, $0xb8;
	[tilespmem:$0x1E800] =	vst v63  }
0x89: {  	s29 =	sadd.s32 $0x1400, s28  }
0x8a: {  	[spmem:s3] =	stream.indirect.scatter.add.f32 [tilespmem:s18], [sflag:$0x2], $0x80, s29, s17, $0xb8;
	[tilespmem:$0x1E800] =	vst v63  }
0x8b: {  	_ =	swait.ge [sflag:s20], $0x4000  }
0x8c: {  	[sflag:s20] =	ssyncset.done $0x0  }
0x8d: {  	[sflag:s20] =	ssyncadd.s32 $0xFFFFC000  }
0x8e: {  	_ =	swait.ge [sflag:s11], $0x4000  }
0x8f: {  	[sflag:s11] =	ssyncset.done $0x0  }
0x90: {  	s29 =	sadd.s32 $0x100, s28;
	[sflag:s11] =	ssyncadd.s32 $0xFFFFC000  }
0x91: {  	[tilespmem:s18], [sflag:$0x1] =	stream.indirect.gather [hbm4b:s1+s17], $0x80, s29, s17, $0xb8;
	[tilespmem:$0x1E800] =	vst v63  }
.Ltmp1:
0x92: {  	_ = 	snop;
	(pc) =	sbr.rel @p0 .LBB2_4-.Ltmp1, $4  }
0x93: {  	s28 =	sadd.s32 $0x1480, s28  }
0x94: {  	[spmem:s3] =	stream.indirect.scatter.add.f32 [tilespmem:s19], [sflag:$0x2], $0x80, s28, s17, $0xb8;
	[tilespmem:$0x1E800] =	vst v63  }
0x95: {  	_ =	swait.ge [sflag:s20], $0x4000  }
0x96: {  	[sflag:s20] =	ssyncset.done $0x0  }
0x97: {  	[sflag:s20] =	ssyncadd.s32 $0xFFFFC000  }
0x98: {  	_ =	swait.ge [sflag:s11], $0x4000  }
0x99: {  	[sflag:s11] =	ssyncset.done $0x0  }
0x9a: {  	[sflag:s11] =	ssyncadd.s32 $0xFFFFC000  }
0x9b: {  	[tilespmem:s19], [sflag:$0x1] =	stream.indirect.gather [hbm4b:s1+s17], $0x80, s21, s17, $0xb8;
	[tilespmem:$0x1E800] =	vst v63  }
0x9c: {  	_ = 	snop  }
0x9d: {  	[spmem:s3] =	stream.indirect.scatter.add.f32 [tilespmem:s18], [sflag:$0x2], $0x80, s22, s17, $0xb8;
	[tilespmem:$0x1E800] =	vst v63  }
0x9e: {  	_ =	swait.ge [sflag:s20], $0x4000  }
0x9f: {  	[sflag:s20] =	ssyncset.done $0x0  }
0xa0: {  	[sflag:s20] =	ssyncadd.s32 $0xFFFFC000  }
0xa1: {  	_ =	swait.ge [sflag:s11], $0x4000  }
0xa2: {  	[sflag:s11] =	ssyncset.done $0x0  }
0xa3: {  	[sflag:s11] =	ssyncadd.s32 $0xFFFFC000  }
0xa4: {  	[spmem:s3] =	stream.indirect.scatter.add.f32 [tilespmem:s19], [sflag:$0x2], $0x80, s23, s17, $0xb8;
	[tilespmem:$0x1E800] =	vst v63  }
0xa5: {  	_ =	swait.ge [sflag:s20], $0x4000  }
0xa6: {  	s25 =	sadd.s32 $0x1, s25;
	[sflag:s20] =	ssyncset.done $0x0  }
0xa7: {  	p0 =	sne.s32 s25, s9;
	[sflag:s20] =	ssyncadd.s32 $0xFFFFC000  }
.Ltmp2:
0xa8: {  	[bflag:$0x0] =	sbarrier.arrive $0xFFFF;
	(pc) =	sbr.rel @p0 .LBB2_1-.Ltmp2, $4  }
0xa9: {  	[hbm:s24], [sflag:s6] =	dma.local [spmem:s10], $0x2800  }
0xaa: {  	_ =	swait.ge [sflag:s11], $0x2800  }
0xab: {  	[sflag:s11] =	ssyncset.done $0x0  }
0xac: {  	[sflag:s11] =	ssyncadd.s32 $0xFFFFD800  }
0xad: {  	_ =	sfence.sel $0x180000  }
0xae: {  	[bflag:$0x0] =	sbarrier.arrive $0xFFFF  }
0xaf: {  	p0 =	sne.s32 s0, $0x0;
	_ =	strace $0x9000004D  }
0xb0: {  	s0 =	sadd.s32 @!p0 $0x100000, s2;
	[bflag:$0x2] =	sbarrier.arrive $0xFFFF  }
0xb1: {  	[sflag:s0] =	ssyncadd.tile.s32 @!p0 $0x1;
	_ =	shalt  }
.Lfunc_end2:
_tile_overlayer_lowered:
.L_overlay_start_2:
0xb2: {  	(tag) =	ssettag $0x2  }
0xb3: {  	s0 =	rddreg [dreg:$0x0];
	s2 =	stileid.u32  }
0xb4: {  	s1 =	rddreg [dreg:$0x1];
	p0 =	sne.s32 s2, $0x0  }
0xb5: {  	s3 =	rddreg [dreg:$0x2];
	[bflag:$0x3] =	sbarrier.arrive $0xFFFF;
	s2 =	simm.s32 @!p0 $0x1C02  }
0xb6: {  	[timem:s3], [sflag:s2] =	dma.local @!p0 [hbm:s0], s1  }
0xb7: {  	s0 =	simm.s32 @!p0 $0x2  }
0xb8: {  	_ =	swait.ge @!p0 [sflag:s0], s1  }
0xb9: {  	s1 =	ssub.s32 @!p0 $0x0, s1;
	[sflag:s0] =	ssyncset.done @!p0 $0x0  }
0xba: {  	[sflag:s0] =	ssyncadd.s32 @!p0 s1  }
0xbb: {  	[bflag:$0x3] =	sbarrier.arrive $0xFFFF  }
0xbc: {  	_ =	shalt  }

// kernel: kernel.8.cloned.1.call-start
scs
__scs_entry_jumppad:
0x0: {  	(pc) =	sbr.rel $0x88, $3  }
0x1: {  	(tag) =	ssettag $0x0;
	lr =	simm.s32 $0x1  }
0x2: {  	[smem:$0x3F9B] =	sst lr;
	_ =	strace $0xD0000000  }
0x3: {  	_ = 	snop  }
0x4: {  	_ = 	snop  }
0x5: {  	_ = 	snop  }
0x6: {  	_ = 	snop  }
0x7: {  	_ = 	snop  }
__scs_overlays_trampoline_lowered:
0x8: {  	[smem:$0x3FAA] =	sst s0  }
0x9: {  	[smem:$0x3FAB] =	sst s1  }
0xa: {  	[smem:$0x3FAC] =	sst s2  }
0xb: {  	[smem:$0x3FAD] =	sst s3  }
0xc: {  	[smem:$0x3FAE] =	sst s4  }
0xd: {  	[smem:$0x3FAF] =	sst s5  }
0xe: {  	[smem:$0x3FB0] =	sst s6  }
0xf: {  	[smem:$0x3FB1] =	sst s7  }
0x10: {  	[smem:$0x3FB2] =	sst s8  }
0x11: {  	[smem:$0x3FB3] =	sst s9;
	s0 =	simm.s32 @!p0 $0x0  }
0x12: {  	s1 =	sld [smem:$0x3F99];
	s0 =	simm.s32 @p0 $0x1  }
0x13: {  	[smem:$0x3FB4] =	sst s0;
	s0 =	simm.s32 @!p1 $0x0  }
0x14: {  	s2 =	sld [smem:$0x3F98];
	s0 =	simm.s32 @p1 $0x1  }
0x15: {  	[smem:$0x3FB5] =	sst s0;
	s0 =	simm.s32 @!p2 $0x0  }
0x16: {  	s3 =	sld [smem:$0x3FDB];
	s0 =	simm.s32 @p2 $0x1  }
0x17: {  	s4 =	simm.s32 $0x1BF5;
	[smem:$0x3FB7] =	sst s0  }
0x18: {  	s0 =	sld [smem:$0x3F9A];
	_ =	swait.ge [sflag:s4], $0x0  }
0x19: {  	s7 =	sld [smem:$0x3F9B]  }
0x1a: {  	s8 =	sadd.s32 $0xFFFFE003, lr  }
0x1b: {  	s9 =	sadd.s32 $0xFFFFFEF7, lr;
	s5 =	simm.s32 $0xFFFFFFFF;
	p2 =	slt.u32 s8, $0xFFFFF086  }
0x1c: {  	p1 =	slt.u32 s9, $0xF7A;
	s5 =	simm.s32 @!p2 $0x0  }
0x1d: {  	s5 =	simm.s32 @p1 $0x1;
	p0 =	seq.s32 s7, s2  }
0x1e: {  	s7 =	smul.u32 @!p0 $0xF7A, s2;
	p2 =	seq.s32 @!p0 s5, $0x0  }
0x1f: {  	s9 =	smul.u32 $0xF7A, s1;
	s8 =	simm.s32 @!p0 $0x1BF5;
	p2 =	por !p2, p0  }
0x20: {  	[sflag:s8] =	ssyncset.s32 @!p0 $0xFFFFF086;
	s6 =	sadd.s32 @!p0 s3, s7;
	s7 =	simm.s32 @!p0 $0x108  }
0x21: {  	s3 =	sadd.s32 s3, s9;
	s6 =	sadd.s32 @!p0 $0x88, s6;
	s7 =	simm.s32 @p2 $0x1082  }
0x22: {  	[simem:s7], [sflag:s8] =	dma.local @!p0 [hbm:s6], $0xF7A  }
0x23: {  	s9 =	sor.u32 $0xD0000000, s2;
	s6 =	simm.s32 $0x108;
	_ =	swait.ge @!p0 [sflag:s8], $0x0  }
0x24: {  	s3 =	sadd.s32 $0x88, s3;
	s6 =	simm.s32 @!p1 $0x1082;
	[sflag:s4] =	ssyncset.s32 $0xFFFFF086  }
0x25: {  	[simem:s6], [sflag:s4] =	dma.local [hbm:s3], $0xF7A  }
0x26: {  	[smem:$0x3F9B] =	sst s1;
	(tag) =	ssettag s2;
	_ =	strace s9  }
0x27: {  	s1 =	sld [smem:$0x3FAB]  }
0x28: {  	s2 =	sld [smem:$0x3FAC]  }
0x29: {  	s4 =	sld [smem:$0x3FAE]  }
0x2a: {  	p0 =	seq.s32 s5, $0x0;
	s5 =	sld [smem:$0x3FAF]  }
0x2b: {  	s6 =	sld [smem:$0x3FB0]  }
0x2c: {  	s7 =	sld [smem:$0x3FB1]  }
0x2d: {  	s3 =	simm.s32 $0x108;
	s8 =	sld [smem:$0x3FB2]  }
0x2e: {  	s3 =	simm.s32 @!p0 $0x1082;
	s9 =	sld [smem:$0x3FB3]  }
0x2f: {  	lr =	sadd.s32 s0, s3;
	s0 =	sld [smem:$0x3FAA]  }
0x30: {  	s3 =	sld [smem:$0x3FAD]  }
0x31: {  	[smem:$0x3FB6] =	sst s10  }
0x32: {  	s10 =	sld [smem:$0x3FB4];
	_ =	sdelay $0x3  }
0x33: {  	p0 =	seq.s32 s10, $0x1;
	s10 =	sld [smem:$0x3FB6];
	_ =	sdelay $0x3  }
0x34: {  	[smem:$0x3FB6] =	sst s10  }
0x35: {  	s10 =	sld [smem:$0x3FB5];
	_ =	sdelay $0x3  }
0x36: {  	p1 =	seq.s32 s10, $0x1;
	s10 =	sld [smem:$0x3FB6];
	_ =	sdelay $0x3  }
0x37: {  	[smem:$0x3FB6] =	sst s10  }
0x38: {  	s10 =	sld [smem:$0x3FB7]  }
0x39: {  	_ = 	snop;
	(pc) =	sbr.ind lr, $3  }
0x3a: {  	_ = 	snop  }
0x3b: {  	_ = 	snop  }
0x3c: {  	p2 =	seq.s32 s10, $0x1;
	s10 =	sld [smem:$0x3FB6]  }
0x3d: {  	_ =	shalt  }
0x3e: {  	_ =	shalt  }
0x3f: {  	_ =	shalt  }
0x40: {  	_ =	shalt  }
0x41: {  	_ =	shalt  }
0x42: {  	_ =	shalt  }
0x43: {  	_ =	shalt  }
0x44: {  	_ =	shalt  }
0x45: {  	_ =	shalt  }
0x46: {  	_ =	shalt  }
0x47: {  	_ =	shalt  }
0x48: {  	_ =	shalt  }
0x49: {  	_ =	shalt  }
0x4a: {  	_ =	shalt  }
0x4b: {  	_ =	shalt  }
0x4c: {  	_ =	shalt  }
0x4d: {  	_ =	shalt  }
0x4e: {  	_ =	shalt  }
0x4f: {  	_ =	shalt  }
0x50: {  	_ =	shalt  }
0x51: {  	_ =	shalt  }
0x52: {  	_ =	shalt  }
0x53: {  	_ =	shalt  }
0x54: {  	_ =	shalt  }
0x55: {  	_ =	shalt  }
0x56: {  	_ =	shalt  }
0x57: {  	_ =	shalt  }
0x58: {  	_ =	shalt  }
0x59: {  	_ =	shalt  }
0x5a: {  	_ =	shalt  }
0x5b: {  	_ =	shalt  }
0x5c: {  	_ =	shalt  }
0x5d: {  	_ =	shalt  }
0x5e: {  	_ =	shalt  }
0x5f: {  	_ =	shalt  }
0x60: {  	_ =	shalt  }
0x61: {  	_ =	shalt  }
0x62: {  	_ =	shalt  }
0x63: {  	_ =	shalt  }
0x64: {  	_ =	shalt  }
0x65: {  	_ =	shalt  }
0x66: {  	_ =	shalt  }
0x67: {  	_ =	shalt  }
0x68: {  	_ =	shalt  }
0x69: {  	_ =	shalt  }
0x6a: {  	_ =	shalt  }
0x6b: {  	_ =	shalt  }
0x6c: {  	_ =	shalt  }
0x6d: {  	_ =	shalt  }
0x6e: {  	_ =	shalt  }
0x6f: {  	_ =	shalt  }
0x70: {  	_ =	shalt  }
0x71: {  	_ =	shalt  }
0x72: {  	_ =	shalt  }
0x73: {  	_ =	shalt  }
0x74: {  	_ =	shalt  }
0x75: {  	_ =	shalt  }
0x76: {  	_ =	shalt  }
0x77: {  	_ =	shalt  }
0x78: {  	_ =	shalt  }
0x79: {  	_ =	shalt  }
0x7a: {  	_ =	shalt  }
0x7b: {  	_ =	shalt  }
0x7c: {  	_ =	shalt  }
0x7d: {  	_ =	shalt  }
0x7e: {  	_ =	shalt  }
0x7f: {  	_ =	shalt  }
0x80: {  	_ =	shalt  }
0x81: {  	_ =	shalt  }
0x82: {  	_ =	shalt  }
0x83: {  	_ =	shalt  }
0x84: {  	_ =	shalt  }
0x85: {  	_ =	shalt  }
0x86: {  	_ =	shalt  }
0x87: {  	_ =	shalt  }
.Lfunc_end0:
.L_simem_size_0:
called_computation_lowered:
.L_overlay_start_0:
0x88: {  	s2 =	sld [smem:$0x3FD9]  }
0x89: {  	s3 =	sld [smem:$0x3FFE];
	_ =	sdelay $0x1  }
0x8a: {  	s1 =	srdreg.scid  }
0x8b: {  	s0 =	sand.u32 $0x1, s1  }
0x8c: {  	s17 =	sshll.u32 s0, $0xA;
	s2 =	sadd.s32 s3, s2  }
0x8d: {  	s2 =	sadd.s32 s2, s17  }
0x8e: {  	[smem:$0x3FC2] =	sst s2  }
0x8f: {  	_ = 	snop  }
0x90: {  	s2 =	sld [smem:$0x3FD0];
	(tm) =	ssettm $0x1  }
0x91: {  	s18 =	sld [smem:$0x3FFB];
	_ =	sdelay $0x3  }
0x92: {  	_ =	strace s18  }
0x93: {  	s3 =	sld [smem:$0x3FFC];
	_ =	sdelay $0x3  }
0x94: {  	_ =	strace s3  }
0x95: {  	s3 =	sld [smem:$0x3FFD];
	_ =	sdelay $0x3  }
0x96: {  	_ =	strace s3  }
0x97: {  	_ =	strace $0x8FFFFFFF  }
0x98: {  	s19 =	sld [smem:$0x3FDB];
	_ =	sdelay $0x1  }
0x99: {  	s4 =	simm.s32 $_scs_section_size  }
0x9a: {  	s5 =	simm.s32 $_size__tile_overlayer_lowered;
	s6 =	simm.s32 $_tile_overlayer_lowered  }
0x9b: {  	s22 =	simm.s32 $0x1BFF;
	s21 =	sshll.u32 s6, $0x1;
	s3 =	sadd.s32 s4, s19  }
0x9c: {  	s7 =	simm.s32 $0x0;
	s20 =	sshll.u32 s5, $0x1;
	s5 =	sadd.s32 s21, s3  }
0x9d: {  	[timem:s7], [sflag:s22] =	dma.local [hbm:s5], s20  }
0x9e: {  	_ =	swait.ge [sflag:s22], s20  }
0x9f: {  	s4 =	ssub.s32 $0x0, s20;
	[sflag:s22] =	ssyncset.done $0x0  }
0xa0: {  	[sflag:s22] =	ssyncadd.s32 s4;
	_ =	sdelay $0x1  }
0xa1: {  	s23 =	simm.s32 $0x1B8B  }
0xa2: {  	_ =	swait.ge [sflag:s23], $0x1  }
0xa3: {  	[sflag:s23] =	ssyncset.done $0x0  }
0xa4: {  	s25 =	simm.s32 $0x1B8E;
	s24 =	sld [smem:$0x3FFE];
	[sflag:s23] =	ssyncadd.s32 $0xFFFFFFFF  }
0xa5: {  	s26 =	simm.s32 $execute0_lowered;
	[smem:$0x3FD2] =	sst s25  }
0xa6: {  	s5 =	sshll.u32 s26, $0x1;
	_ =	strace $0x80000046;
	[dreg:$0x1] =	wrdreg $0xFFFFFFFF  }
0xa7: {  	s28 =	simm.s32 $_size_execute0_lowered;
	s3 =	sadd.s32 s3, s5;
	[dreg:$0x0] =	wrdreg $0x0  }
0xa8: {  	s5 =	sshll.u32 s28, $0x1;
	[dreg:$0x2] =	wrdreg s3  }
0xa9: {  	[dreg:$0x3] =	wrdreg s5  }
0xaa: {  	[dreg:$0x4] =	wrdreg $0xC0  }
0xab: {  	_ =	task [dreg:s7], $0x5FFFF  }
0xac: {  	[dreg:$0x1] =	wrdreg $0xFFFFFFFF  }
0xad: {  	[dreg:$0x0] =	wrdreg $0x60  }
0xae: {  	[dreg:$0x2] =	wrdreg s24  }
0xaf: {  	[dreg:$0x3] =	wrdreg s2  }
0xb0: {  	[dreg:$0x4] =	wrdreg $0x30000  }
0xb1: {  	[dreg:$0x5] =	wrdreg $0x9  }
0xb2: {  	_ =	task.clear_ibuf [dreg:s7], $0x6FFFF;
	_ =	strace $0x90000046  }
0xb3: {  	s29 =	simm.s32 $0x9;
	_ =	strace $0x80000048  }
0xb4: {  	_ =	swait.ge [sflag:s29], $0x1  }
0xb5: {  	[sflag:s29] =	ssyncadd.s32 $0xFFFFFFFF  }
0xb6: {  	_ =	strace $0x90000048  }
0xb7: {  	_ =	sfence  }
0xb8: {  	s30 =	sld [smem:$0x0];
	_ =	sdelay $0x2  }
0xb9: {  	s31 =	sshll.u32 s1, $0xD;
	s1 =	sshrl.u32 s1, $0x2  }
0xba: {  	s3 =	sand.u32 $0x4000, s31;
	s1 =	sadd.s32 s1, s30  }
0xbb: {  	s0 =	sor.u32 s3, s0;
	s1 =	sshll.u32 s1, $0x11  }
0xbc: {  	s0 =	sor.u32 s1, s0  }
0xbd: {  	s0 =	sadd.s32 $0x8F2B, s0  }
0xbe: {  	[sflag:s0] =	ssyncadd.remote.s32 $0x1  }
0xbf: {  	_ =	sfence.sel $0xFFFF  }
0xc0: {  	[dreg:$0x0] =	wrdreg $0xFFFFFFFF;
	(pc) =	sbr.abs _section_cstart, $3  }
0xc1: {  	[dreg:$0x1] =	wrdreg $0xFFFFFFFF  }
0xc2: {  	_ =	task.clear_ibuf [dreg:s7], $0x2FFFF;
	_ =	strace $0x9FFFFFFF  }
0xc3: {  	(tm) =	ssettm $0x7FFFFFFF  }
tec
execute0_lowered:
.L_overlay_start_1:
0x0: {  	(tag) =	ssettag $0x1  }
0x1: {  	s5 =	rddreg [dreg:$0x0]  }
0x2: {  	s8 =	rddreg [dreg:$0x1]  }
0x3: {  	s1 =	srdreg.scid;
	s0 =	stileid.u32  }
0x4: {  	s2 =	rddreg [dreg:$0x2];
	s3 =	simm.s32 $0x0;
	s7 =	sand.u32 $0x1, s1  }
0x5: {  	s4 =	sshll.u32 s0, $0x1;
	s1 =	rddreg [dreg:$0x3];
	s10 =	smul.u32 $0xA000, s0  }
0x6: {  	[smem:$0x7FF] =	sst s3;
	s12 =	smul.u32 $0x2800, s0;
	s13 =	sshll.u32 s0, $0x6  }
0x7: {  	s4 =	sor.u32 s7, s4;
	s6 =	ssub.s32 $0x2, s7;
	s15 =	smul.u32 $0x5000, s7  }
0x8: {  	_ =	strace $0x80000047;
	s4 =	smul.u32 $0x500, s4;
	s11 =	sshrl.u32 s6, $0x1  }
0x9: {  	s29 =	sshrl.u32 s10, $0x2;
	s30 =	sadd.s32 s12, s2;
	s19 =	sshrl.u32 s12, $0x3  }
0xa: {  	s10 =	simm.s32 $0x1;
	s11 =	ssub.s32 s6, s11;
	s14 =	sadd.s32 s29, s2  }
0xb: {  	s6 =	sor.u32 $0x1C01, s13;
	s18 =	sadd.s32 s8, s15;
	s15 =	simm.s32 $0x2800  }
0xc: {  	s9 =	sadd.s32 s4, s5;
	s4 =	sadd.s32 $0x16A00, s5;
	s5 =	sadd.s32 $0x16800, s5  }
0xd: {  	s31 =	sadd.s32 $0x800, s14;
	s16 =	sadd.s32 $0x1000, s14;
	s17 =	sadd.s32 $0x1800, s14  }
0xe: {  	s14 =	sadd.s32 $0x2000, s14;
	s8 =	smax.u32 s11, $0x1;
	s18 =	sadd.s32 s19, s18  }
0xf: {  	s19 =	simm.s32 $0x0;
	s7 =	sadd.s32 $0xC800, s9;
	s9 =	sshrl.u32 s30, $0x3  }
0x10: {  	s11 =	sshrl.u32 s31, $0x3;
	s12 =	sshrl.u32 s16, $0x3;
	s13 =	sshrl.u32 s17, $0x3  }
0x11: {  	s14 =	sshrl.u32 s14, $0x3;
	s16 =	simm.s32 $0x80;
	s17 =	simm.s32 $0x2  }
.LBB2_1:
0x12: {  	[spmem:s9], [sflag:s6] =	dma.local [hbm:s5], $0x100  }
0x13: {  	_ =	swait.ge [sflag:s10], $0x100  }
0x14: {  	[sflag:s10] =	ssyncset.done $0x0  }
0x15: {  	[sflag:s10] =	ssyncadd.s32 $0xFFFFFF00  }
0x16: {  	[spmem:s11], [sflag:s6] =	dma.local [hbm:s5], $0x100  }
0x17: {  	_ =	swait.ge [sflag:s10], $0x100  }
0x18: {  	[sflag:s10] =	ssyncset.done $0x0  }
0x19: {  	[sflag:s10] =	ssyncadd.s32 $0xFFFFFF00  }
0x1a: {  	[spmem:s12], [sflag:s6] =	dma.local [hbm:s5], $0x100  }
0x1b: {  	_ =	swait.ge [sflag:s10], $0x100  }
0x1c: {  	[sflag:s10] =	ssyncset.done $0x0  }
0x1d: {  	[sflag:s10] =	ssyncadd.s32 $0xFFFFFF00  }
0x1e: {  	[spmem:s13], [sflag:s6] =	dma.local [hbm:s5], $0x100  }
0x1f: {  	_ =	swait.ge [sflag:s10], $0x100  }
0x20: {  	[sflag:s10] =	ssyncset.done $0x0  }
0x21: {  	[sflag:s10] =	ssyncadd.s32 $0xFFFFFF00  }
0x22: {  	[spmem:s14], [sflag:s6] =	dma.local [hbm:s5], $0x100  }
0x23: {  	_ =	swait.ge [sflag:s10], $0x100  }
0x24: {  	[sflag:s10] =	ssyncset.done $0x0  }
0x25: {  	[sflag:s10] =	ssyncadd.s32 $0xFFFFFF00  }
0x26: {  	[tilespmem:s15], [sflag:$0x1] =	stream.linear.gather [hbm4b:s4+s3], $0x800, $0x38;
	[tilespmem:$0x5800] =	vst v63  }
0x27: {  	_ =	swait.ge [sflag:s10], $0x800  }
0x28: {  	[sflag:s10] =	ssyncset.done $0x0  }
0x29: {  	[sflag:s10] =	ssyncadd.s32 $0xFFFFF800  }
0x2a: {  	[tilespmem:s3], [sflag:$0x1] =	stream.linear.gather [hbm4b:s7+s3], $0x2800, $0x38;
	[tilespmem:$0x5800] =	vst v63  }
0x2b: {  	_ =	swait.ge [sflag:s10], $0x2800  }
0x2c: {  	[sflag:s10] =	ssyncset.done $0x0  }
0x2d: {  	[sflag:s10] =	ssyncadd.s32 $0xFFFFD800  }
0x2e: {  	s20 =	simm.s32 $0x0;
	[bflag:$0x0] =	sbarrier.arrive $0xFFFF  }
0x2f: {  	[spmem:s2] =	stream.indirect.scatter.add.f32 [tilespmem:s15], [sflag:$0x2], $0x10, s20, s16, $0xb8;
	[tilespmem:$0x5800] =	vst v63  }
0x30: {  	_ =	swait.ge [sflag:s17], $0x800  }
0x31: {  	s20 =	simm.s32 $0x200;
	[sflag:s17] =	ssyncset.done $0x0  }
.LBB2_2:
0x32: {  	s21 =	sshra.s32 s20, $0x2;
	[sflag:s17] =	ssyncadd.s32 $0xFFFFF800;
	p0 =	sne.s32 s20, $0x9E00  }
0x33: {  	[spmem:s2] =	stream.indirect.scatter.add.f32 [tilespmem:s15], [sflag:$0x2], $0x10, s21, s16, $0xb8;
	[tilespmem:$0x5800] =	vst v63  }
.Ltmp0:
0x34: {  	_ = 	snop;
	(pc) =	sbr.rel @p0 .LBB2_2-.Ltmp0, $4  }
0x35: {  	_ = 	snop  }
0x36: {  	s20 =	sadd.s32 $0x200, s20  }
0x37: {  	_ =	swait.ge [sflag:s17], $0x800  }
0x38: {  	[sflag:s17] =	ssyncset.done $0x0  }
0x39: {  	s19 =	sadd.s32 $0x1, s19  }
0x3a: {  	[sflag:s17] =	ssyncadd.s32 $0xFFFFF800;
	p0 =	sne.s32 s19, s8  }
.Ltmp1:
0x3b: {  	[bflag:$0x0] =	sbarrier.arrive $0xFFFF;
	(pc) =	sbr.rel @p0 .LBB2_1-.Ltmp1, $4  }
0x3c: {  	[hbm:s18], [sflag:s6] =	dma.local [spmem:s9], $0x500  }
0x3d: {  	_ =	swait.ge [sflag:s10], $0x500  }
0x3e: {  	[sflag:s10] =	ssyncset.done $0x0  }
0x3f: {  	[sflag:s10] =	ssyncadd.s32 $0xFFFFFB00  }
0x40: {  	_ =	sfence.sel $0x180000  }
0x41: {  	[bflag:$0x0] =	sbarrier.arrive $0xFFFF  }
0x42: {  	p0 =	sne.s32 s0, $0x0;
	_ =	strace $0x90000047  }
0x43: {  	s0 =	sadd.s32 @!p0 $0x100000, s1;
	[bflag:$0x2] =	sbarrier.arrive $0xFFFF  }
0x44: {  	[sflag:s0] =	ssyncadd.tile.s32 @!p0 $0x1;
	_ =	shalt  }
.Lfunc_end2:
_tile_overlayer_lowered:
.L_overlay_start_2:
0x45: {  	(tag) =	ssettag $0x2  }
0x46: {  	s0 =	rddreg [dreg:$0x0];
	s2 =	stileid.u32  }
0x47: {  	s1 =	rddreg [dreg:$0x1];
	p0 =	sne.s32 s2, $0x0  }
0x48: {  	s3 =	rddreg [dreg:$0x2];
	[bflag:$0x3] =	sbarrier.arrive $0xFFFF;
	s2 =	simm.s32 @!p0 $0x1C02  }
0x49: {  	[timem:s3], [sflag:s2] =	dma.local @!p0 [hbm:s0], s1  }
0x4a: {  	s0 =	simm.s32 @!p0 $0x2  }
0x4b: {  	_ =	swait.ge @!p0 [sflag:s0], s1  }
0x4c: {  	s1 =	ssub.s32 @!p0 $0x0, s1;
	[sflag:s0] =	ssyncset.done @!p0 $0x0  }
0x4d: {  	[sflag:s0] =	ssyncadd.s32 @!p0 s1  }
0x4e: {  	[bflag:$0x3] =	sbarrier.arrive $0xFFFF  }
0x4f: {  	_ =	shalt  }

</sc_bundles>
